<compile_context>
chip_gen: v7x
topology: tpu7x:2x2x1
jax: 0.10.2.dev20260603
libtpu: 0.0.44.dev20260713+nightly
codegen_flags: <defaults>
</compile_context>

<pallas_src>
import functools
import jax
import jax.numpy as jnp
from jax import lax
from jax.experimental import pallas as pl
from jax.experimental.pallas import tpu as pltpu
from jax.experimental.pallas import tpu_sc as plsc

N = 10000
E = 320000
D = 128
G = 64
NC = 2
NS = 16
NW = NC * NS
EPW = E // NW
CH = 80
NCH = EPW // CH
NP = 10240
SEG = NP // NS
RB = 10
BR = N // RB

_mesh = plsc.VectorSubcoreMesh(core_axis_name="c", subcore_axis_name="s")


@functools.partial(
    pl.kernel,
    out_type=jax.ShapeDtypeStruct((NC * NP,), jnp.float32),
    mesh=_mesh,
    scratch_types=[
        pltpu.VMEM((NCH, CH), jnp.int32),
        pltpu.VMEM((CH,), jnp.float32),
        pltpu.VMEM((SEG,), jnp.float32),
        pltpu.VMEM_SHARED((NP,), jnp.float32),
        pltpu.SemaphoreType.DMA,
    ],
)
def _deg(dst_hbm, out_hbm, idx_v, ones_v, zero_v, acc_sh, sem):
    cid = lax.axis_index("c")
    sid = lax.axis_index("s")
    wid = sid * NC + cid
    ones16 = jnp.ones((16,), jnp.float32)
    zeros16 = jnp.zeros((16,), jnp.float32)
    for i in range(CH // 16):
        ones_v[pl.ds(i * 16, 16)] = ones16

    def zbody(i, c):
        zero_v[pl.ds(i * 16, 16)] = zeros16
        return c

    pltpu.async_copy(dst_hbm.at[wid], idx_v, sem)
    lax.fori_loop(0, SEG // 16, zbody, 0)
    pltpu.sync_copy(zero_v, acc_sh.at[pl.ds(sid * SEG, SEG)])
    pltpu.make_async_copy(dst_hbm.at[wid], idx_v, sem).wait()
    plsc.subcore_barrier()

    def body(j, c):
        pltpu.sync_copy(ones_v, acc_sh.at[idx_v.at[j]], add=True)
        return c

    lax.fori_loop(0, NCH, body, 0)
    plsc.subcore_barrier()
    pltpu.sync_copy(acc_sh.at[pl.ds(sid * SEG, SEG)],
                    out_hbm.at[pl.ds(cid * NP + sid * SEG, SEG)])


@functools.partial(
    pl.kernel,
    out_type=jax.ShapeDtypeStruct((NC, NP, D), jnp.float32),
    mesh=_mesh,
    scratch_types=[
        pltpu.VMEM((EPW,), jnp.int32),
        pltpu.VMEM((NCH, CH), jnp.int32),
        pltpu.VMEM((CH, D), jnp.float32),
        pltpu.VMEM((CH, D), jnp.float32),
        pltpu.VMEM_SHARED((NP, D), jnp.float32),
        pltpu.SemaphoreType.DMA,
    ],
)
def _agg(z_hbm, src_hbm, dst_hbm, out_hbm, srcv, dstv, rows0, rows1, acc_sh,
         sem0):
    cid = lax.axis_index("c")
    sid = lax.axis_index("s")
    wid = sid * NC + cid
    pltpu.async_copy(src_hbm.at[wid], srcv, sem0)
    pltpu.async_copy(dst_hbm.at[wid], dstv, sem0)

    zeros16 = jnp.zeros((16,), jnp.float32)

    def zbody(i, c):
        for k in range(D // 16):
            rows1[i, pl.ds(k * 16, 16)] = zeros16
        return c

    lax.fori_loop(0, CH, zbody, 0)
    base = sid * SEG
    for r in range(SEG // CH):
        pltpu.sync_copy(rows1, acc_sh.at[pl.ds(base + r * CH, CH)])
    pltpu.make_async_copy(src_hbm.at[wid], srcv, sem0).wait()
    pltpu.make_async_copy(dst_hbm.at[wid], dstv, sem0).wait()
    plsc.subcore_barrier()

    def gidx(j):
        return srcv.at[pl.ds(j * CH, CH)]

    pltpu.async_copy(z_hbm.at[gidx(0)], rows0, sem0)

    def body(i, c):
        j0 = 2 * i
        pltpu.async_copy(z_hbm.at[gidx(j0 + 1)], rows1, sem0)
        pltpu.make_async_copy(z_hbm.at[gidx(j0)], rows0, sem0).wait()
        pltpu.sync_copy(rows0, acc_sh.at[dstv.at[j0]], add=True)
        pltpu.async_copy(z_hbm.at[gidx(j0 + 2)], rows0, sem0)
        pltpu.make_async_copy(z_hbm.at[gidx(j0 + 1)], rows1, sem0).wait()
        pltpu.sync_copy(rows1, acc_sh.at[dstv.at[j0 + 1]], add=True)
        return c

    lax.fori_loop(0, (NCH - 1) // 2, body, 0)
    pltpu.make_async_copy(z_hbm.at[gidx(NCH - 1)], rows0, sem0).wait()
    pltpu.sync_copy(rows0, acc_sh.at[dstv.at[NCH - 1]], add=True)
    plsc.subcore_barrier()
    pltpu.sync_copy(acc_sh.at[pl.ds(base, SEG)],
                    out_hbm.at[cid, pl.ds(base, SEG)])


def _dinv_of(d0_ref, d1_ref):
    return lax.rsqrt(d0_ref[...] + d1_ref[...] + 1.0)


def _zmat_body(x_ref, w_ref, d0_ref, d1_ref, z_ref):
    xw = jnp.dot(x_ref[...], w_ref[...], preferred_element_type=jnp.float32)
    z_ref[...] = xw * _dinv_of(d0_ref, d1_ref)


def _zmat(x, W, d0_col, d1_col):
    return pl.pallas_call(
        _zmat_body,
        grid=(RB,),
        in_specs=[
            pl.BlockSpec((BR, D), lambda i: (i, 0)),
            pl.BlockSpec((D, D), lambda i: (0, 0)),
            pl.BlockSpec((BR, 1), lambda i: (i, 0)),
            pl.BlockSpec((BR, 1), lambda i: (i, 0)),
        ],
        out_specs=pl.BlockSpec((BR, D), lambda i: (i, 0)),
        out_shape=jax.ShapeDtypeStruct((N, D), jnp.float32),
    )(x, W, d0_col, d1_col)


def _comb_body(acc_ref, z_ref, d0_ref, d1_ref, b_ref, w_ref, z2_ref):
    dinv = _dinv_of(d0_ref, d1_ref)
    h = jnp.maximum(
        (acc_ref[0] + acc_ref[1] + z_ref[...]) * dinv + b_ref[...], 0.0)
    z2_ref[...] = jnp.dot(h, w_ref[...],
                          preferred_element_type=jnp.float32) * dinv


def _comb(accp, z, d0_col, d1_col, b_row, W):
    return pl.pallas_call(
        _comb_body,
        grid=(RB,),
        in_specs=[
            pl.BlockSpec((NC, BR, D), lambda i: (0, i, 0)),
            pl.BlockSpec((BR, D), lambda i: (i, 0)),
            pl.BlockSpec((BR, 1), lambda i: (i, 0)),
            pl.BlockSpec((BR, 1), lambda i: (i, 0)),
            pl.BlockSpec((1, D), lambda i: (0, 0)),
            pl.BlockSpec((D, D), lambda i: (0, 0)),
        ],
        out_specs=pl.BlockSpec((BR, D), lambda i: (i, 0)),
        out_shape=jax.ShapeDtypeStruct((N, D), jnp.float32),
    )(accp, z, d0_col, d1_col, b_row, W)


def _fin_body(acc_ref, z_ref, d0_ref, d1_ref, b_ref, batch_ref, wfc_ref,
              bfc_ref, logits_ref, prob_ref, pooled_s, counts_s):
    i = pl.program_id(0)

    @pl.when(i == 0)
    def _():
        pooled_s[...] = jnp.zeros_like(pooled_s)
        counts_s[...] = jnp.zeros_like(counts_s)

    dinv = _dinv_of(d0_ref, d1_ref)
    h = jnp.maximum(
        (acc_ref[0] + acc_ref[1] + z_ref[...]) * dinv + b_ref[...], 0.0)
    onehot = (batch_ref[...] == lax.broadcasted_iota(jnp.int32, (1, G), 1)
              ).astype(jnp.float32)
    pooled_s[...] += lax.dot_general(onehot, h, (((0,), (0,)), ((), ())),
                                     preferred_element_type=jnp.float32)
    counts_s[...] += lax.dot_general(onehot, jnp.ones((BR, 1), jnp.float32),
                                     (((0,), (0,)), ((), ())),
                                     preferred_element_type=jnp.float32)

    @pl.when(i == pl.num_programs(0) - 1)
    def _():
        pooled = pooled_s[...] / jnp.maximum(counts_s[...], 1.0)
        logits = jnp.dot(pooled, wfc_ref[...],
                         preferred_element_type=jnp.float32) + bfc_ref[...]
        logits_ref[...] = logits
        m = jnp.max(logits, axis=1, keepdims=True)
        e = jnp.exp(logits - m)
        prob_ref[...] = e / jnp.sum(e, axis=1, keepdims=True)


def _final(accp, z, d0_col, d1_col, b_row, batch_col, Wfc, bfc_row):
    return pl.pallas_call(
        _fin_body,
        grid=(RB,),
        in_specs=[
            pl.BlockSpec((NC, BR, D), lambda i: (0, i, 0)),
            pl.BlockSpec((BR, D), lambda i: (i, 0)),
            pl.BlockSpec((BR, 1), lambda i: (i, 0)),
            pl.BlockSpec((BR, 1), lambda i: (i, 0)),
            pl.BlockSpec((1, D), lambda i: (0, 0)),
            pl.BlockSpec((BR, 1), lambda i: (i, 0)),
            pl.BlockSpec((D, 2), lambda i: (0, 0)),
            pl.BlockSpec((1, 2), lambda i: (0, 0)),
        ],
        out_specs=[
            pl.BlockSpec((G, 2), lambda i: (0, 0)),
            pl.BlockSpec((G, 2), lambda i: (0, 0)),
        ],
        out_shape=[
            jax.ShapeDtypeStruct((G, 2), jnp.float32),
            jax.ShapeDtypeStruct((G, 2), jnp.float32),
        ],
        scratch_shapes=[
            pltpu.VMEM((G, D), jnp.float32),
            pltpu.VMEM((G, 1), jnp.float32),
        ],
    )(accp, z, d0_col, d1_col, b_row, batch_col, Wfc, bfc_row)


def kernel(x, edge_index, batch, W1, b1, W2, b2, Wfc, bfc):
    src2 = edge_index[0].reshape(NW, EPW)
    dst3 = edge_index[1].reshape(NW, NCH, CH)

    degp = _deg(dst3)
    d0_col = degp[:N].reshape(N, 1)
    d1_col = degp[NP:NP + N].reshape(N, 1)

    z1 = _zmat(x, W1, d0_col, d1_col)
    accp1 = _agg(z1, src2, dst3)
    z2 = _comb(accp1, z1, d0_col, d1_col, b1.reshape(1, D), W2)
    accp2 = _agg(z2, src2, dst3)
    logits, y_prob = _final(accp2, z2, d0_col, d1_col,
                            b2.reshape(1, D), batch.reshape(N, 1),
                            Wfc, bfc.reshape(1, 2))
    return (logits, y_prob)

# --- scband reference (transcript-rebuilt; emitter-appended) ---
"""Pipeline reference for scband-gcn-33663953666526 (READ-ONLY COPY).

The authoritative reference and input builder live on the scoring server;
editing this copy changes nothing except your own understanding.
"""

import jax, jax.numpy as jnp
import numpy as np

N = 10000
E = 320000
D = 128
H = 128
O = 128
G = 64


def setup_inputs(seed: int = 0) -> dict:
    key = jax.random.key(seed)
    ks = jax.random.split(key, 10)
    x = jax.random.normal(ks[0], (N, D), dtype=jnp.float32)
    edge_index = jax.random.randint(ks[1], (2, E), 0, N, dtype=jnp.int32)
    batch = jnp.sort(jax.random.randint(ks[2], (N,), 0, G, dtype=jnp.int32))
    W1 = jax.random.normal(ks[3], (D, H), dtype=jnp.float32) * (1.0 / np.sqrt(D))
    b1 = jnp.zeros((H,), dtype=jnp.float32)
    W2 = jax.random.normal(ks[4], (H, O), dtype=jnp.float32) * (1.0 / np.sqrt(H))
    b2 = jnp.zeros((O,), dtype=jnp.float32)
    Wfc = jax.random.normal(ks[5], (O, 2), dtype=jnp.float32) * (1.0 / np.sqrt(O))
    bfc = jnp.zeros((2,), dtype=jnp.float32)
    return {"x": x, "edge_index": edge_index, "batch": batch, "W1": W1, "b1": b1, "W2": W2, "b2": b2, "Wfc": Wfc, "bfc": bfc}


def _gcn_conv(x, edge_index, W, b):
    num_nodes = x.shape[0]
    loop = jnp.arange(num_nodes, dtype=edge_index.dtype)
    src = jnp.concatenate([edge_index[0], loop])
    dst = jnp.concatenate([edge_index[1], loop])
    deg = jnp.zeros((num_nodes,), dtype=x.dtype).at[dst].add(1.0)
    dinv = jnp.where(deg > 0, 1.0 / jnp.sqrt(deg), 0.0)
    norm = dinv[src] * dinv[dst]
    xw = x @ W
    msg = jnp.take(xw, src, axis=0) * norm[:, None]
    out = jnp.zeros((num_nodes, W.shape[1]), dtype=x.dtype).at[dst].add(msg)
    return out + b


def reference(x, edge_index, batch, W1, b1, W2, b2, Wfc, bfc):
    # conv1 + relu (dropout is identity in eval mode)
    h = jax.nn.relu(_gcn_conv(x, edge_index, W1, b1))
    # conv2 + relu
    h = jax.nn.relu(_gcn_conv(h, edge_index, W2, b2))
    # global mean pool over batch segment ids
    counts = jnp.zeros((G,), dtype=h.dtype).at[batch].add(1.0)
    summed = jax.ops.segment_sum(h, batch, num_segments=G)
    pooled = summed / jnp.maximum(counts, 1.0)[:, None]
    logits = pooled @ Wfc + bfc
    y_prob = jax.nn.softmax(logits, axis=1)
    return (logits, y_prob)

if __name__ == "__main__":
    import jax
    _d = setup_inputs()
    print(jax.jit(kernel)(*tuple(_d.values())))

</pallas_src>

<mosaic_0001>
#map = affine_map<(d0, d1) -> (0, 0)>
#map1 = affine_map<(d0, d1) -> (0, 0, 0)>
module attributes {stable_mosaic.version = 14 : i64} {
  func.func @_agg(%arg0: i32, %arg1: i32, %arg2: memref<10000x128xf32, #tpu.memory_space<hbm>>, %arg3: memref<32x10000xi32, #tpu.memory_space<hbm>>, %arg4: memref<32x125x80xi32, #tpu.memory_space<hbm>>, %arg5: memref<2x10240x128xf32, #tpu.memory_space<hbm>>, %arg6: memref<10000xi32, #tpu.memory_space<vmem>>, %arg7: memref<125x80xi32, #tpu.memory_space<vmem>>, %arg8: memref<80x128xf32, #tpu.memory_space<vmem>>, %arg9: memref<80x128xf32, #tpu.memory_space<vmem>>, %arg10: memref<10240x128xf32, #tpu.memory_space<vmem_shared>>, %arg11: memref<!tpu.dma_semaphore, #tpu.memory_space<semaphore_mem>>) attributes {dimension_semantics = [#tpu.dimension_semantics<core_parallel>, #tpu.dimension_semantics<subcore_parallel>], iteration_bounds = array<i64: 2, 16>, scalar_prefetch = 0 : i64, scratch_operands = 6 : i64, tpu.core_type = #tpu.core_type<sc_vector_subcore>, window_params = [{transform_indices = #map}, {transform_indices = #map}, {transform_indices = #map1}, {transform_indices = #map1}]} {
    %mul3A = arith.constant 2 : i32
    %mul3A_0 = arith.muli %arg1, %mul3A : i32
    %add3A = arith.addi %mul3A_0, %arg0 : i32
    %dma_start3A = arith.constant 0 : i32
    %dma_start3A_1 = tpu.memref_slice %arg3[%add3A, %dma_start3A] : memref<32x10000xi32, #tpu.memory_space<hbm>> -> memref<1x10000xi32, #tpu.memory_space<hbm>>
    %dma_start3A_2 = tpu.memref_squeeze %dma_start3A_1 : memref<1x10000xi32, #tpu.memory_space<hbm>> -> memref<10000xi32, #tpu.memory_space<hbm>>
    %dma_start3A_3 = arith.constant 0 : i32
    %dma_start3A_4 = tpu.memref_slice %arg3[%add3A, %dma_start3A_3] : memref<32x10000xi32, #tpu.memory_space<hbm>> -> memref<1x10000xi32, #tpu.memory_space<hbm>>
    %dma_start3A_5 = tpu.memref_squeeze %dma_start3A_4 : memref<1x10000xi32, #tpu.memory_space<hbm>> -> memref<10000xi32, #tpu.memory_space<hbm>>
    tpu.enqueue_dma source(%dma_start3A_5 : memref<10000xi32, #tpu.memory_space<hbm>>) target(%arg6 : memref<10000xi32, #tpu.memory_space<vmem>>) target_semaphore(%arg11 : memref<!tpu.dma_semaphore, #tpu.memory_space<semaphore_mem>>)
    %dma_start3A_6 = arith.constant 0 : i32
    %dma_start3A_7 = arith.constant 0 : i32
    %dma_start3A_8 = tpu.memref_slice %arg4[%add3A, %dma_start3A_6, %dma_start3A_7] : memref<32x125x80xi32, #tpu.memory_space<hbm>> -> memref<1x125x80xi32, #tpu.memory_space<hbm>>
    %dma_start3A_9 = tpu.memref_squeeze %dma_start3A_8 : memref<1x125x80xi32, #tpu.memory_space<hbm>> -> memref<125x80xi32, #tpu.memory_space<hbm>>
    %dma_start3A_10 = arith.constant 0 : i32
    %dma_start3A_11 = arith.constant 0 : i32
    %dma_start3A_12 = tpu.memref_slice %arg4[%add3A, %dma_start3A_10, %dma_start3A_11] : memref<32x125x80xi32, #tpu.memory_space<hbm>> -> memref<1x125x80xi32, #tpu.memory_space<hbm>>
    %dma_start3A_13 = tpu.memref_squeeze %dma_start3A_12 : memref<1x125x80xi32, #tpu.memory_space<hbm>> -> memref<125x80xi32, #tpu.memory_space<hbm>>
    tpu.enqueue_dma source(%dma_start3A_13 : memref<125x80xi32, #tpu.memory_space<hbm>>) target(%arg7 : memref<125x80xi32, #tpu.memory_space<vmem>>) target_semaphore(%arg11 : memref<!tpu.dma_semaphore, #tpu.memory_space<semaphore_mem>>)
    %broadcast_in_dim3A = arith.constant 0.000000e+00 : f32
    %broadcast_in_dim3A_14 = vector.broadcast %broadcast_in_dim3A : f32 to vector<16xf32>
    %scan3A = arith.constant 0 : i32
    %scan3A_15 = arith.constant 0 : i32
    %scan3A_16 = arith.constant 80 : i32
    %scan3A_17 = arith.addi %scan3A_15, %scan3A_16 : i32
    %scan3A_18 = arith.constant 1 : i32
    scf.for %scan3A_68 = %scan3A_15 to %scan3A_17 step %scan3A_18  : i32 {
      %swap3A = arith.index_cast %scan3A_68 : i32 to index
      %swap3A_69 = arith.constant 0 : index
      %swap3A_70 = tpu.vector_load %arg9[%swap3A, %swap3A_69] {strides = array<i32>} : memref<80x128xf32, #tpu.memory_space<vmem>>, vector<1x16xf32>,
      %swap3A_71 = vector.shape_cast %swap3A_70 : vector<1x16xf32> to vector<16xf32>
      %swap3A_72 = vector.shape_cast %broadcast_in_dim3A_14 : vector<16xf32> to vector<1x16xf32>
      tpu.vector_store %arg9[%swap3A, %swap3A_69], %swap3A_72 {strides = array<i32>} : memref<80x128xf32, #tpu.memory_space<vmem>>, vector<1x16xf32>,
      %swap3A_73 = arith.index_cast %scan3A_68 : i32 to index
      %swap3A_74 = arith.constant 16 : index
      %swap3A_75 = tpu.vector_load %arg9[%swap3A_73, %swap3A_74] {strides = array<i32>} : memref<80x128xf32, #tpu.memory_space<vmem>>, vector<1x16xf32>,
      %swap3A_76 = vector.shape_cast %swap3A_75 : vector<1x16xf32> to vector<16xf32>
      %swap3A_77 = vector.shape_cast %broadcast_in_dim3A_14 : vector<16xf32> to vector<1x16xf32>
      tpu.vector_store %arg9[%swap3A_73, %swap3A_74], %swap3A_77 {strides = array<i32>} : memref<80x128xf32, #tpu.memory_space<vmem>>, vector<1x16xf32>,
      %swap3A_78 = arith.index_cast %scan3A_68 : i32 to index
      %swap3A_79 = arith.constant 32 : index
      %swap3A_80 = tpu.vector_load %arg9[%swap3A_78, %swap3A_79] {strides = array<i32>} : memref<80x128xf32, #tpu.memory_space<vmem>>, vector<1x16xf32>,
      %swap3A_81 = vector.shape_cast %swap3A_80 : vector<1x16xf32> to vector<16xf32>
      %swap3A_82 = vector.shape_cast %broadcast_in_dim3A_14 : vector<16xf32> to vector<1x16xf32>
      tpu.vector_store %arg9[%swap3A_78, %swap3A_79], %swap3A_82 {strides = array<i32>} : memref<80x128xf32, #tpu.memory_space<vmem>>, vector<1x16xf32>,
      %swap3A_83 = arith.index_cast %scan3A_68 : i32 to index
      %swap3A_84 = arith.constant 48 : index
      %swap3A_85 = tpu.vector_load %arg9[%swap3A_83, %swap3A_84] {strides = array<i32>} : memref<80x128xf32, #tpu.memory_space<vmem>>, vector<1x16xf32>,
      %swap3A_86 = vector.shape_cast %swap3A_85 : vector<1x16xf32> to vector<16xf32>
      %swap3A_87 = vector.shape_cast %broadcast_in_dim3A_14 : vector<16xf32> to vector<1x16xf32>
      tpu.vector_store %arg9[%swap3A_83, %swap3A_84], %swap3A_87 {strides = array<i32>} : memref<80x128xf32, #tpu.memory_space<vmem>>, vector<1x16xf32>,
      %swap3A_88 = arith.index_cast %scan3A_68 : i32 to index
      %swap3A_89 = arith.constant 64 : index
      %swap3A_90 = tpu.vector_load %arg9[%swap3A_88, %swap3A_89] {strides = array<i32>} : memref<80x128xf32, #tpu.memory_space<vmem>>, vector<1x16xf32>,
      %swap3A_91 = vector.shape_cast %swap3A_90 : vector<1x16xf32> to vector<16xf32>
      %swap3A_92 = vector.shape_cast %broadcast_in_dim3A_14 : vector<16xf32> to vector<1x16xf32>
      tpu.vector_store %arg9[%swap3A_88, %swap3A_89], %swap3A_92 {strides = array<i32>} : memref<80x128xf32, #tpu.memory_space<vmem>>, vector<1x16xf32>,
      %swap3A_93 = arith.index_cast %scan3A_68 : i32 to index
      %swap3A_94 = arith.constant 80 : index
      %swap3A_95 = tpu.vector_load %arg9[%swap3A_93, %swap3A_94] {strides = array<i32>} : memref<80x128xf32, #tpu.memory_space<vmem>>, vector<1x16xf32>,
      %swap3A_96 = vector.shape_cast %swap3A_95 : vector<1x16xf32> to vector<16xf32>
      %swap3A_97 = vector.shape_cast %broadcast_in_dim3A_14 : vector<16xf32> to vector<1x16xf32>
      tpu.vector_store %arg9[%swap3A_93, %swap3A_94], %swap3A_97 {strides = array<i32>} : memref<80x128xf32, #tpu.memory_space<vmem>>, vector<1x16xf32>,
      %swap3A_98 = arith.index_cast %scan3A_68 : i32 to index
      %swap3A_99 = arith.constant 96 : index
      %swap3A_100 = tpu.vector_load %arg9[%swap3A_98, %swap3A_99] {strides = array<i32>} : memref<80x128xf32, #tpu.memory_space<vmem>>, vector<1x16xf32>,
      %swap3A_101 = vector.shape_cast %swap3A_100 : vector<1x16xf32> to vector<16xf32>
      %swap3A_102 = vector.shape_cast %broadcast_in_dim3A_14 : vector<16xf32> to vector<1x16xf32>
      tpu.vector_store %arg9[%swap3A_98, %swap3A_99], %swap3A_102 {strides = array<i32>} : memref<80x128xf32, #tpu.memory_space<vmem>>, vector<1x16xf32>,
      %swap3A_103 = arith.index_cast %scan3A_68 : i32 to index
      %swap3A_104 = arith.constant 112 : index
      %swap3A_105 = tpu.vector_load %arg9[%swap3A_103, %swap3A_104] {strides = array<i32>} : memref<80x128xf32, #tpu.memory_space<vmem>>, vector<1x16xf32>,
      %swap3A_106 = vector.shape_cast %swap3A_105 : vector<1x16xf32> to vector<16xf32>
      %swap3A_107 = vector.shape_cast %broadcast_in_dim3A_14 : vector<16xf32> to vector<1x16xf32>
      tpu.vector_store %arg9[%swap3A_103, %swap3A_104], %swap3A_107 {strides = array<i32>} : memref<80x128xf32, #tpu.memory_space<vmem>>, vector<1x16xf32>,
    }
    %scan3A_19 = arith.constant 80 : i32
    %mul3A_20 = arith.constant 640 : i32
    %mul3A_21 = arith.muli %arg1, %mul3A_20 : i32
    %add3A_22 = arith.constant 0 : i32
    %add3A_23 = arith.addi %mul3A_21, %add3A_22 : i32
    "tpu.region"() ({
      %run_scoped3A_68 = tpu.sem_alloc : memref<!tpu.dma_semaphore, #tpu.memory_space<semaphore_mem>>
      %dma_start3A_69 = arith.constant 0 : i32
      %dma_start3A_70 = tpu.memref_slice %arg10[%add3A_23, %dma_start3A_69] : memref<10240x128xf32, #tpu.memory_space<vmem_shared>> -> memref<80x128xf32, #tpu.memory_space<vmem_shared>>
      %dma_start3A_71 = arith.constant 0 : i32
      %dma_start3A_72 = tpu.memref_slice %arg10[%add3A_23, %dma_start3A_71] : memref<10240x128xf32, #tpu.memory_space<vmem_shared>> -> memref<80x128xf32, #tpu.memory_space<vmem_shared>>
      tpu.enqueue_dma source(%arg9 : memref<80x128xf32, #tpu.memory_space<vmem>>) target(%dma_start3A_72 : memref<80x128xf32, #tpu.memory_space<vmem_shared>>) target_semaphore(%run_scoped3A_68 : memref<!tpu.dma_semaphore, #tpu.memory_space<semaphore_mem>>)
      %dma_wait3A_73 = arith.constant 0 : i32
      %dma_wait3A_74 = tpu.memref_slice %arg10[%add3A_23, %dma_wait3A_73] : memref<10240x128xf32, #tpu.memory_space<vmem_shared>> -> memref<80x128xf32, #tpu.memory_space<vmem_shared>>
      %dma_wait3A_75 = arith.constant 0 : i32
      %dma_wait3A_76 = tpu.memref_slice %arg10[%add3A_23, %dma_wait3A_75] : memref<10240x128xf32, #tpu.memory_space<vmem_shared>> -> memref<80x128xf32, #tpu.memory_space<vmem_shared>>
      tpu.wait_dma2 semaphore(%run_scoped3A_68 : memref<!tpu.dma_semaphore, #tpu.memory_space<semaphore_mem>>) src(%arg9 : memref<80x128xf32, #tpu.memory_space<vmem>>) dst(%dma_wait3A_76 : memref<80x128xf32, #tpu.memory_space<vmem_shared>>)
      tpu.yield
    }) : () -> ()
    %add3A_24 = arith.constant 80 : i32
    %add3A_25 = arith.addi %mul3A_21, %add3A_24 : i32
    "tpu.region"() ({
      %run_scoped3A_68 = tpu.sem_alloc : memref<!tpu.dma_semaphore, #tpu.memory_space<semaphore_mem>>
      %dma_start3A_69 = arith.constant 0 : i32
      %dma_start3A_70 = tpu.memref_slice %arg10[%add3A_25, %dma_start3A_69] : memref<10240x128xf32, #tpu.memory_space<vmem_shared>> -> memref<80x128xf32, #tpu.memory_space<vmem_shared>>
      %dma_start3A_71 = arith.constant 0 : i32
      %dma_start3A_72 = tpu.memref_slice %arg10[%add3A_25, %dma_start3A_71] : memref<10240x128xf32, #tpu.memory_space<vmem_shared>> -> memref<80x128xf32, #tpu.memory_space<vmem_shared>>
      tpu.enqueue_dma source(%arg9 : memref<80x128xf32, #tpu.memory_space<vmem>>) target(%dma_start3A_72 : memref<80x128xf32, #tpu.memory_space<vmem_shared>>) target_semaphore(%run_scoped3A_68 : memref<!tpu.dma_semaphore, #tpu.memory_space<semaphore_mem>>)
      %dma_wait3A_73 = arith.constant 0 : i32
      %dma_wait3A_74 = tpu.memref_slice %arg10[%add3A_25, %dma_wait3A_73] : memref<10240x128xf32, #tpu.memory_space<vmem_shared>> -> memref<80x128xf32, #tpu.memory_space<vmem_shared>>
      %dma_wait3A_75 = arith.constant 0 : i32
      %dma_wait3A_76 = tpu.memref_slice %arg10[%add3A_25, %dma_wait3A_75] : memref<10240x128xf32, #tpu.memory_space<vmem_shared>> -> memref<80x128xf32, #tpu.memory_space<vmem_shared>>
      tpu.wait_dma2 semaphore(%run_scoped3A_68 : memref<!tpu.dma_semaphore, #tpu.memory_space<semaphore_mem>>) src(%arg9 : memref<80x128xf32, #tpu.memory_space<vmem>>) dst(%dma_wait3A_76 : memref<80x128xf32, #tpu.memory_space<vmem_shared>>)
      tpu.yield
    }) : () -> ()
    %add3A_26 = arith.constant 160 : i32
    %add3A_27 = arith.addi %mul3A_21, %add3A_26 : i32
    "tpu.region"() ({
      %run_scoped3A_68 = tpu.sem_alloc : memref<!tpu.dma_semaphore, #tpu.memory_space<semaphore_mem>>
      %dma_start3A_69 = arith.constant 0 : i32
      %dma_start3A_70 = tpu.memref_slice %arg10[%add3A_27, %dma_start3A_69] : memref<10240x128xf32, #tpu.memory_space<vmem_shared>> -> memref<80x128xf32, #tpu.memory_space<vmem_shared>>
      %dma_start3A_71 = arith.constant 0 : i32
      %dma_start3A_72 = tpu.memref_slice %arg10[%add3A_27, %dma_start3A_71] : memref<10240x128xf32, #tpu.memory_space<vmem_shared>> -> memref<80x128xf32, #tpu.memory_space<vmem_shared>>
      tpu.enqueue_dma source(%arg9 : memref<80x128xf32, #tpu.memory_space<vmem>>) target(%dma_start3A_72 : memref<80x128xf32, #tpu.memory_space<vmem_shared>>) target_semaphore(%run_scoped3A_68 : memref<!tpu.dma_semaphore, #tpu.memory_space<semaphore_mem>>)
      %dma_wait3A_73 = arith.constant 0 : i32
      %dma_wait3A_74 = tpu.memref_slice %arg10[%add3A_27, %dma_wait3A_73] : memref<10240x128xf32, #tpu.memory_space<vmem_shared>> -> memref<80x128xf32, #tpu.memory_space<vmem_shared>>
      %dma_wait3A_75 = arith.constant 0 : i32
      %dma_wait3A_76 = tpu.memref_slice %arg10[%add3A_27, %dma_wait3A_75] : memref<10240x128xf32, #tpu.memory_space<vmem_shared>> -> memref<80x128xf32, #tpu.memory_space<vmem_shared>>
      tpu.wait_dma2 semaphore(%run_scoped3A_68 : memref<!tpu.dma_semaphore, #tpu.memory_space<semaphore_mem>>) src(%arg9 : memref<80x128xf32, #tpu.memory_space<vmem>>) dst(%dma_wait3A_76 : memref<80x128xf32, #tpu.memory_space<vmem_shared>>)
      tpu.yield
    }) : () -> ()
    %add3A_28 = arith.constant 240 : i32
    %add3A_29 = arith.addi %mul3A_21, %add3A_28 : i32
    "tpu.region"() ({
      %run_scoped3A_68 = tpu.sem_alloc : memref<!tpu.dma_semaphore, #tpu.memory_space<semaphore_mem>>
      %dma_start3A_69 = arith.constant 0 : i32
      %dma_start3A_70 = tpu.memref_slice %arg10[%add3A_29, %dma_start3A_69] : memref<10240x128xf32, #tpu.memory_space<vmem_shared>> -> memref<80x128xf32, #tpu.memory_space<vmem_shared>>
      %dma_start3A_71 = arith.constant 0 : i32
      %dma_start3A_72 = tpu.memref_slice %arg10[%add3A_29, %dma_start3A_71] : memref<10240x128xf32, #tpu.memory_space<vmem_shared>> -> memref<80x128xf32, #tpu.memory_space<vmem_shared>>
      tpu.enqueue_dma source(%arg9 : memref<80x128xf32, #tpu.memory_space<vmem>>) target(%dma_start3A_72 : memref<80x128xf32, #tpu.memory_space<vmem_shared>>) target_semaphore(%run_scoped3A_68 : memref<!tpu.dma_semaphore, #tpu.memory_space<semaphore_mem>>)
      %dma_wait3A_73 = arith.constant 0 : i32
      %dma_wait3A_74 = tpu.memref_slice %arg10[%add3A_29, %dma_wait3A_73] : memref<10240x128xf32, #tpu.memory_space<vmem_shared>> -> memref<80x128xf32, #tpu.memory_space<vmem_shared>>
      %dma_wait3A_75 = arith.constant 0 : i32
      %dma_wait3A_76 = tpu.memref_slice %arg10[%add3A_29, %dma_wait3A_75] : memref<10240x128xf32, #tpu.memory_space<vmem_shared>> -> memref<80x128xf32, #tpu.memory_space<vmem_shared>>
      tpu.wait_dma2 semaphore(%run_scoped3A_68 : memref<!tpu.dma_semaphore, #tpu.memory_space<semaphore_mem>>) src(%arg9 : memref<80x128xf32, #tpu.memory_space<vmem>>) dst(%dma_wait3A_76 : memref<80x128xf32, #tpu.memory_space<vmem_shared>>)
      tpu.yield
    }) : () -> ()
    %add3A_30 = arith.constant 320 : i32
    %add3A_31 = arith.addi %mul3A_21, %add3A_30 : i32
    "tpu.region"() ({
      %run_scoped3A_68 = tpu.sem_alloc : memref<!tpu.dma_semaphore, #tpu.memory_space<semaphore_mem>>
      %dma_start3A_69 = arith.constant 0 : i32
      %dma_start3A_70 = tpu.memref_slice %arg10[%add3A_31, %dma_start3A_69] : memref<10240x128xf32, #tpu.memory_space<vmem_shared>> -> memref<80x128xf32, #tpu.memory_space<vmem_shared>>
      %dma_start3A_71 = arith.constant 0 : i32
      %dma_start3A_72 = tpu.memref_slice %arg10[%add3A_31, %dma_start3A_71] : memref<10240x128xf32, #tpu.memory_space<vmem_shared>> -> memref<80x128xf32, #tpu.memory_space<vmem_shared>>
      tpu.enqueue_dma source(%arg9 : memref<80x128xf32, #tpu.memory_space<vmem>>) target(%dma_start3A_72 : memref<80x128xf32, #tpu.memory_space<vmem_shared>>) target_semaphore(%run_scoped3A_68 : memref<!tpu.dma_semaphore, #tpu.memory_space<semaphore_mem>>)
      %dma_wait3A_73 = arith.constant 0 : i32
      %dma_wait3A_74 = tpu.memref_slice %arg10[%add3A_31, %dma_wait3A_73] : memref<10240x128xf32, #tpu.memory_space<vmem_shared>> -> memref<80x128xf32, #tpu.memory_space<vmem_shared>>
      %dma_wait3A_75 = arith.constant 0 : i32
      %dma_wait3A_76 = tpu.memref_slice %arg10[%add3A_31, %dma_wait3A_75] : memref<10240x128xf32, #tpu.memory_space<vmem_shared>> -> memref<80x128xf32, #tpu.memory_space<vmem_shared>>
      tpu.wait_dma2 semaphore(%run_scoped3A_68 : memref<!tpu.dma_semaphore, #tpu.memory_space<semaphore_mem>>) src(%arg9 : memref<80x128xf32, #tpu.memory_space<vmem>>) dst(%dma_wait3A_76 : memref<80x128xf32, #tpu.memory_space<vmem_shared>>)
      tpu.yield
    }) : () -> ()
    %add3A_32 = arith.constant 400 : i32
    %add3A_33 = arith.addi %mul3A_21, %add3A_32 : i32
    "tpu.region"() ({
      %run_scoped3A_68 = tpu.sem_alloc : memref<!tpu.dma_semaphore, #tpu.memory_space<semaphore_mem>>
      %dma_start3A_69 = arith.constant 0 : i32
      %dma_start3A_70 = tpu.memref_slice %arg10[%add3A_33, %dma_start3A_69] : memref<10240x128xf32, #tpu.memory_space<vmem_shared>> -> memref<80x128xf32, #tpu.memory_space<vmem_shared>>
      %dma_start3A_71 = arith.constant 0 : i32
      %dma_start3A_72 = tpu.memref_slice %arg10[%add3A_33, %dma_start3A_71] : memref<10240x128xf32, #tpu.memory_space<vmem_shared>> -> memref<80x128xf32, #tpu.memory_space<vmem_shared>>
      tpu.enqueue_dma source(%arg9 : memref<80x128xf32, #tpu.memory_space<vmem>>) target(%dma_start3A_72 : memref<80x128xf32, #tpu.memory_space<vmem_shared>>) target_semaphore(%run_scoped3A_68 : memref<!tpu.dma_semaphore, #tpu.memory_space<semaphore_mem>>)
      %dma_wait3A_73 = arith.constant 0 : i32
      %dma_wait3A_74 = tpu.memref_slice %arg10[%add3A_33, %dma_wait3A_73] : memref<10240x128xf32, #tpu.memory_space<vmem_shared>> -> memref<80x128xf32, #tpu.memory_space<vmem_shared>>
      %dma_wait3A_75 = arith.constant 0 : i32
      %dma_wait3A_76 = tpu.memref_slice %arg10[%add3A_33, %dma_wait3A_75] : memref<10240x128xf32, #tpu.memory_space<vmem_shared>> -> memref<80x128xf32, #tpu.memory_space<vmem_shared>>
      tpu.wait_dma2 semaphore(%run_scoped3A_68 : memref<!tpu.dma_semaphore, #tpu.memory_space<semaphore_mem>>) src(%arg9 : memref<80x128xf32, #tpu.memory_space<vmem>>) dst(%dma_wait3A_76 : memref<80x128xf32, #tpu.memory_space<vmem_shared>>)
      tpu.yield
    }) : () -> ()
    %add3A_34 = arith.constant 480 : i32
    %add3A_35 = arith.addi %mul3A_21, %add3A_34 : i32
    "tpu.region"() ({
      %run_scoped3A_68 = tpu.sem_alloc : memref<!tpu.dma_semaphore, #tpu.memory_space<semaphore_mem>>
      %dma_start3A_69 = arith.constant 0 : i32
      %dma_start3A_70 = tpu.memref_slice %arg10[%add3A_35, %dma_start3A_69] : memref<10240x128xf32, #tpu.memory_space<vmem_shared>> -> memref<80x128xf32, #tpu.memory_space<vmem_shared>>
      %dma_start3A_71 = arith.constant 0 : i32
      %dma_start3A_72 = tpu.memref_slice %arg10[%add3A_35, %dma_start3A_71] : memref<10240x128xf32, #tpu.memory_space<vmem_shared>> -> memref<80x128xf32, #tpu.memory_space<vmem_shared>>
      tpu.enqueue_dma source(%arg9 : memref<80x128xf32, #tpu.memory_space<vmem>>) target(%dma_start3A_72 : memref<80x128xf32, #tpu.memory_space<vmem_shared>>) target_semaphore(%run_scoped3A_68 : memref<!tpu.dma_semaphore, #tpu.memory_space<semaphore_mem>>)
      %dma_wait3A_73 = arith.constant 0 : i32
      %dma_wait3A_74 = tpu.memref_slice %arg10[%add3A_35, %dma_wait3A_73] : memref<10240x128xf32, #tpu.memory_space<vmem_shared>> -> memref<80x128xf32, #tpu.memory_space<vmem_shared>>
      %dma_wait3A_75 = arith.constant 0 : i32
      %dma_wait3A_76 = tpu.memref_slice %arg10[%add3A_35, %dma_wait3A_75] : memref<10240x128xf32, #tpu.memory_space<vmem_shared>> -> memref<80x128xf32, #tpu.memory_space<vmem_shared>>
      tpu.wait_dma2 semaphore(%run_scoped3A_68 : memref<!tpu.dma_semaphore, #tpu.memory_space<semaphore_mem>>) src(%arg9 : memref<80x128xf32, #tpu.memory_space<vmem>>) dst(%dma_wait3A_76 : memref<80x128xf32, #tpu.memory_space<vmem_shared>>)
      tpu.yield
    }) : () -> ()
    %add3A_36 = arith.constant 560 : i32
    %add3A_37 = arith.addi %mul3A_21, %add3A_36 : i32
    "tpu.region"() ({
      %run_scoped3A_68 = tpu.sem_alloc : memref<!tpu.dma_semaphore, #tpu.memory_space<semaphore_mem>>
      %dma_start3A_69 = arith.constant 0 : i32
      %dma_start3A_70 = tpu.memref_slice %arg10[%add3A_37, %dma_start3A_69] : memref<10240x128xf32, #tpu.memory_space<vmem_shared>> -> memref<80x128xf32, #tpu.memory_space<vmem_shared>>
      %dma_start3A_71 = arith.constant 0 : i32
      %dma_start3A_72 = tpu.memref_slice %arg10[%add3A_37, %dma_start3A_71] : memref<10240x128xf32, #tpu.memory_space<vmem_shared>> -> memref<80x128xf32, #tpu.memory_space<vmem_shared>>
      tpu.enqueue_dma source(%arg9 : memref<80x128xf32, #tpu.memory_space<vmem>>) target(%dma_start3A_72 : memref<80x128xf32, #tpu.memory_space<vmem_shared>>) target_semaphore(%run_scoped3A_68 : memref<!tpu.dma_semaphore, #tpu.memory_space<semaphore_mem>>)
      %dma_wait3A_73 = arith.constant 0 : i32
      %dma_wait3A_74 = tpu.memref_slice %arg10[%add3A_37, %dma_wait3A_73] : memref<10240x128xf32, #tpu.memory_space<vmem_shared>> -> memref<80x128xf32, #tpu.memory_space<vmem_shared>>
      %dma_wait3A_75 = arith.constant 0 : i32
      %dma_wait3A_76 = tpu.memref_slice %arg10[%add3A_37, %dma_wait3A_75] : memref<10240x128xf32, #tpu.memory_space<vmem_shared>> -> memref<80x128xf32, #tpu.memory_space<vmem_shared>>
      tpu.wait_dma2 semaphore(%run_scoped3A_68 : memref<!tpu.dma_semaphore, #tpu.memory_space<semaphore_mem>>) src(%arg9 : memref<80x128xf32, #tpu.memory_space<vmem>>) dst(%dma_wait3A_76 : memref<80x128xf32, #tpu.memory_space<vmem_shared>>)
      tpu.yield
    }) : () -> ()
    %dma_wait3A = arith.constant 0 : i32
    %dma_wait3A_38 = tpu.memref_slice %arg3[%add3A, %dma_wait3A] : memref<32x10000xi32, #tpu.memory_space<hbm>> -> memref<1x10000xi32, #tpu.memory_space<hbm>>
    %dma_wait3A_39 = tpu.memref_squeeze %dma_wait3A_38 : memref<1x10000xi32, #tpu.memory_space<hbm>> -> memref<10000xi32, #tpu.memory_space<hbm>>
    %dma_wait3A_40 = arith.constant 0 : i32
    %dma_wait3A_41 = tpu.memref_slice %arg3[%add3A, %dma_wait3A_40] : memref<32x10000xi32, #tpu.memory_space<hbm>> -> memref<1x10000xi32, #tpu.memory_space<hbm>>
    %dma_wait3A_42 = tpu.memref_squeeze %dma_wait3A_41 : memref<1x10000xi32, #tpu.memory_space<hbm>> -> memref<10000xi32, #tpu.memory_space<hbm>>
    tpu.wait_dma2 semaphore(%arg11 : memref<!tpu.dma_semaphore, #tpu.memory_space<semaphore_mem>>) src(%dma_wait3A_42 : memref<10000xi32, #tpu.memory_space<hbm>>) dst(%arg6 : memref<10000xi32, #tpu.memory_space<vmem>>)
    %dma_wait3A_43 = arith.constant 0 : i32
    %dma_wait3A_44 = arith.constant 0 : i32
    %dma_wait3A_45 = tpu.memref_slice %arg4[%add3A, %dma_wait3A_43, %dma_wait3A_44] : memref<32x125x80xi32, #tpu.memory_space<hbm>> -> memref<1x125x80xi32, #tpu.memory_space<hbm>>
    %dma_wait3A_46 = tpu.memref_squeeze %dma_wait3A_45 : memref<1x125x80xi32, #tpu.memory_space<hbm>> -> memref<125x80xi32, #tpu.memory_space<hbm>>
    %dma_wait3A_47 = arith.constant 0 : i32
    %dma_wait3A_48 = arith.constant 0 : i32
    %dma_wait3A_49 = tpu.memref_slice %arg4[%add3A, %dma_wait3A_47, %dma_wait3A_48] : memref<32x125x80xi32, #tpu.memory_space<hbm>> -> memref<1x125x80xi32, #tpu.memory_space<hbm>>
    %dma_wait3A_50 = tpu.memref_squeeze %dma_wait3A_49 : memref<1x125x80xi32, #tpu.memory_space<hbm>> -> memref<125x80xi32, #tpu.memory_space<hbm>>
    tpu.wait_dma2 semaphore(%arg11 : memref<!tpu.dma_semaphore, #tpu.memory_space<semaphore_mem>>) src(%dma_wait3A_50 : memref<125x80xi32, #tpu.memory_space<hbm>>) dst(%arg7 : memref<125x80xi32, #tpu.memory_space<vmem>>)
    %barrier3A = arith.constant 0 : index
    tpu.barrier barrier_id(%barrier3A)
    %dma_start3A_51 = arith.constant 0 : i32
    %dma_start3A_52 = tpu.memref_slice %arg6[%dma_start3A_51] : memref<10000xi32, #tpu.memory_space<vmem>> -> memref<80xi32, #tpu.memory_space<vmem>>
    %dma_start3A_53 = arith.constant 0 : i32
    %dma_start3A_54 = arith.constant 0 : i32
    %dma_start3A_55 = tpu.memref_slice %arg2[%dma_start3A_53, %dma_start3A_54] : memref<10000x128xf32, #tpu.memory_space<hbm>> -> memref<10000x128xf32, #tpu.memory_space<hbm>>
    tpu.enqueue_indirect_dma source(%dma_start3A_55 : memref<10000x128xf32, #tpu.memory_space<hbm>>) target(%arg8 : memref<80x128xf32, #tpu.memory_space<vmem>>) offsets(%dma_start3A_52 : memref<80xi32, #tpu.memory_space<vmem>>) semaphore(%arg11 : memref<!tpu.dma_semaphore, #tpu.memory_space<semaphore_mem>>)
    %scan3A_56 = arith.constant 0 : i32
    %scan3A_57 = arith.constant 0 : i32
    %scan3A_58 = arith.constant 62 : i32
    %scan3A_59 = arith.addi %scan3A_57, %scan3A_58 : i32
    %scan3A_60 = arith.constant 1 : i32
    scf.for %scan3A_68 = %scan3A_57 to %scan3A_59 step %scan3A_60  : i32 {
      %mul3A_69 = arith.constant 2 : i32
      %mul3A_70 = arith.muli %mul3A_69, %scan3A_68 : i32
      %add3A_71 = arith.constant 1 : i32
      %add3A_72 = arith.addi %mul3A_70, %add3A_71 : i32
      %mul3A_73 = arith.constant 80 : i32
      %mul3A_74 = arith.muli %add3A_72, %mul3A_73 : i32
      %dma_start3A_75 = tpu.memref_slice %arg6[%mul3A_74] : memref<10000xi32, #tpu.memory_space<vmem>> -> memref<80xi32, #tpu.memory_space<vmem>>
      %dma_start3A_76 = arith.constant 0 : i32
      %dma_start3A_77 = arith.constant 0 : i32
      %dma_start3A_78 = tpu.memref_slice %arg2[%dma_start3A_76, %dma_start3A_77] : memref<10000x128xf32, #tpu.memory_space<hbm>> -> memref<10000x128xf32, #tpu.memory_space<hbm>>
      tpu.enqueue_indirect_dma source(%dma_start3A_78 : memref<10000x128xf32, #tpu.memory_space<hbm>>) target(%arg9 : memref<80x128xf32, #tpu.memory_space<vmem>>) offsets(%dma_start3A_75 : memref<80xi32, #tpu.memory_space<vmem>>) semaphore(%arg11 : memref<!tpu.dma_semaphore, #tpu.memory_space<semaphore_mem>>)
      %mul3A_79 = arith.constant 80 : i32
      %mul3A_80 = arith.muli %mul3A_70, %mul3A_79 : i32
      %dma_wait3A_81 = tpu.memref_slice %arg6[%mul3A_80] : memref<10000xi32, #tpu.memory_space<vmem>> -> memref<80xi32, #tpu.memory_space<vmem>>
      %dma_wait3A_82 = arith.constant 0 : i32
      %dma_wait3A_83 = arith.constant 0 : i32
      %dma_wait3A_84 = tpu.memref_slice %arg2[%dma_wait3A_82, %dma_wait3A_83] : memref<10000x128xf32, #tpu.memory_space<hbm>> -> memref<10000x128xf32, #tpu.memory_space<hbm>>
      tpu.wait_indirect_dma semaphore(%arg11 : memref<!tpu.dma_semaphore, #tpu.memory_space<semaphore_mem>>) src(%dma_wait3A_84 : memref<10000x128xf32, #tpu.memory_space<hbm>>) dst(%arg8 : memref<80x128xf32, #tpu.memory_space<vmem>>)
      "tpu.region"() ({
        %run_scoped3A_103 = tpu.sem_alloc : memref<!tpu.dma_semaphore, #tpu.memory_space<semaphore_mem>>
        %dma_start3A_104 = arith.constant 0 : i32
        %dma_start3A_105 = tpu.memref_slice %arg7[%mul3A_70, %dma_start3A_104] : memref<125x80xi32, #tpu.memory_space<vmem>> -> memref<1x80xi32, #tpu.memory_space<vmem>>
        %dma_start3A_106 = tpu.memref_squeeze %dma_start3A_105 : memref<1x80xi32, #tpu.memory_space<vmem>> -> memref<80xi32, #tpu.memory_space<vmem>>
        %dma_start3A_107 = arith.constant 0 : i32
        %dma_start3A_108 = arith.constant 0 : i32
        %dma_start3A_109 = tpu.memref_slice %arg10[%dma_start3A_107, %dma_start3A_108] : memref<10240x128xf32, #tpu.memory_space<vmem_shared>> -> memref<10240x128xf32, #tpu.memory_space<vmem_shared>>
        tpu.enqueue_indirect_dma source(%arg8 : memref<80x128xf32, #tpu.memory_space<vmem>>) target(%dma_start3A_109 : memref<10240x128xf32, #tpu.memory_space<vmem_shared>>) offsets(%dma_start3A_106 : memref<80xi32, #tpu.memory_space<vmem>>) semaphore(%run_scoped3A_103 : memref<!tpu.dma_semaphore, #tpu.memory_space<semaphore_mem>>) {add = true}
        %dma_wait3A_110 = arith.constant 0 : i32
        %dma_wait3A_111 = tpu.memref_slice %arg7[%mul3A_70, %dma_wait3A_110] : memref<125x80xi32, #tpu.memory_space<vmem>> -> memref<1x80xi32, #tpu.memory_space<vmem>>
        %dma_wait3A_112 = tpu.memref_squeeze %dma_wait3A_111 : memref<1x80xi32, #tpu.memory_space<vmem>> -> memref<80xi32, #tpu.memory_space<vmem>>
        %dma_wait3A_113 = arith.constant 0 : i32
        %dma_wait3A_114 = arith.constant 0 : i32
        %dma_wait3A_115 = tpu.memref_slice %arg10[%dma_wait3A_113, %dma_wait3A_114] : memref<10240x128xf32, #tpu.memory_space<vmem_shared>> -> memref<10240x128xf32, #tpu.memory_space<vmem_shared>>
        tpu.wait_indirect_dma semaphore(%run_scoped3A_103 : memref<!tpu.dma_semaphore, #tpu.memory_space<semaphore_mem>>) src(%arg8 : memref<80x128xf32, #tpu.memory_space<vmem>>) dst(%dma_wait3A_115 : memref<10240x128xf32, #tpu.memory_space<vmem_shared>>)
        tpu.yield
      }) : () -> ()
      %add3A_85 = arith.constant 2 : i32
      %add3A_86 = arith.addi %mul3A_70, %add3A_85 : i32
      %mul3A_87 = arith.constant 80 : i32
      %mul3A_88 = arith.muli %add3A_86, %mul3A_87 : i32
      %dma_start3A_89 = tpu.memref_slice %arg6[%mul3A_88] : memref<10000xi32, #tpu.memory_space<vmem>> -> memref<80xi32, #tpu.memory_space<vmem>>
      %dma_start3A_90 = arith.constant 0 : i32
      %dma_start3A_91 = arith.constant 0 : i32
      %dma_start3A_92 = tpu.memref_slice %arg2[%dma_start3A_90, %dma_start3A_91] : memref<10000x128xf32, #tpu.memory_space<hbm>> -> memref<10000x128xf32, #tpu.memory_space<hbm>>
      tpu.enqueue_indirect_dma source(%dma_start3A_92 : memref<10000x128xf32, #tpu.memory_space<hbm>>) target(%arg8 : memref<80x128xf32, #tpu.memory_space<vmem>>) offsets(%dma_start3A_89 : memref<80xi32, #tpu.memory_space<vmem>>) semaphore(%arg11 : memref<!tpu.dma_semaphore, #tpu.memory_space<semaphore_mem>>)
      %add3A_93 = arith.constant 1 : i32
      %add3A_94 = arith.addi %mul3A_70, %add3A_93 : i32
      %mul3A_95 = arith.constant 80 : i32
      %mul3A_96 = arith.muli %add3A_94, %mul3A_95 : i32
      %dma_wait3A_97 = tpu.memref_slice %arg6[%mul3A_96] : memref<10000xi32, #tpu.memory_space<vmem>> -> memref<80xi32, #tpu.memory_space<vmem>>
      %dma_wait3A_98 = arith.constant 0 : i32
      %dma_wait3A_99 = arith.constant 0 : i32
      %dma_wait3A_100 = tpu.memref_slice %arg2[%dma_wait3A_98, %dma_wait3A_99] : memref<10000x128xf32, #tpu.memory_space<hbm>> -> memref<10000x128xf32, #tpu.memory_space<hbm>>
      tpu.wait_indirect_dma semaphore(%arg11 : memref<!tpu.dma_semaphore, #tpu.memory_space<semaphore_mem>>) src(%dma_wait3A_100 : memref<10000x128xf32, #tpu.memory_space<hbm>>) dst(%arg9 : memref<80x128xf32, #tpu.memory_space<vmem>>)
      %add3A_101 = arith.constant 1 : i32
      %add3A_102 = arith.addi %mul3A_70, %add3A_101 : i32
      "tpu.region"() ({
        %run_scoped3A_103 = tpu.sem_alloc : memref<!tpu.dma_semaphore, #tpu.memory_space<semaphore_mem>>
        %dma_start3A_104 = arith.constant 0 : i32
        %dma_start3A_105 = tpu.memref_slice %arg7[%add3A_102, %dma_start3A_104] : memref<125x80xi32, #tpu.memory_space<vmem>> -> memref<1x80xi32, #tpu.memory_space<vmem>>
        %dma_start3A_106 = tpu.memref_squeeze %dma_start3A_105 : memref<1x80xi32, #tpu.memory_space<vmem>> -> memref<80xi32, #tpu.memory_space<vmem>>
        %dma_start3A_107 = arith.constant 0 : i32
        %dma_start3A_108 = arith.constant 0 : i32
        %dma_start3A_109 = tpu.memref_slice %arg10[%dma_start3A_107, %dma_start3A_108] : memref<10240x128xf32, #tpu.memory_space<vmem_shared>> -> memref<10240x128xf32, #tpu.memory_space<vmem_shared>>
        tpu.enqueue_indirect_dma source(%arg9 : memref<80x128xf32, #tpu.memory_space<vmem>>) target(%dma_start3A_109 : memref<10240x128xf32, #tpu.memory_space<vmem_shared>>) offsets(%dma_start3A_106 : memref<80xi32, #tpu.memory_space<vmem>>) semaphore(%run_scoped3A_103 : memref<!tpu.dma_semaphore, #tpu.memory_space<semaphore_mem>>) {add = true}
        %dma_wait3A_110 = arith.constant 0 : i32
        %dma_wait3A_111 = tpu.memref_slice %arg7[%add3A_102, %dma_wait3A_110] : memref<125x80xi32, #tpu.memory_space<vmem>> -> memref<1x80xi32, #tpu.memory_space<vmem>>
        %dma_wait3A_112 = tpu.memref_squeeze %dma_wait3A_111 : memref<1x80xi32, #tpu.memory_space<vmem>> -> memref<80xi32, #tpu.memory_space<vmem>>
        %dma_wait3A_113 = arith.constant 0 : i32
        %dma_wait3A_114 = arith.constant 0 : i32
        %dma_wait3A_115 = tpu.memref_slice %arg10[%dma_wait3A_113, %dma_wait3A_114] : memref<10240x128xf32, #tpu.memory_space<vmem_shared>> -> memref<10240x128xf32, #tpu.memory_space<vmem_shared>>
        tpu.wait_indirect_dma semaphore(%run_scoped3A_103 : memref<!tpu.dma_semaphore, #tpu.memory_space<semaphore_mem>>) src(%arg9 : memref<80x128xf32, #tpu.memory_space<vmem>>) dst(%dma_wait3A_115 : memref<10240x128xf32, #tpu.memory_space<vmem_shared>>)
        tpu.yield
      }) : () -> ()
    }
    %scan3A_61 = arith.constant 62 : i32
    %dma_wait3A_62 = arith.constant 9920 : i32
    %dma_wait3A_63 = tpu.memref_slice %arg6[%dma_wait3A_62] : memref<10000xi32, #tpu.memory_space<vmem>> -> memref<80xi32, #tpu.memory_space<vmem>>
    %dma_wait3A_64 = arith.constant 0 : i32
    %dma_wait3A_65 = arith.constant 0 : i32
    %dma_wait3A_66 = tpu.memref_slice %arg2[%dma_wait3A_64, %dma_wait3A_65] : memref<10000x128xf32, #tpu.memory_space<hbm>> -> memref<10000x128xf32, #tpu.memory_space<hbm>>
    tpu.wait_indirect_dma semaphore(%arg11 : memref<!tpu.dma_semaphore, #tpu.memory_space<semaphore_mem>>) src(%dma_wait3A_66 : memref<10000x128xf32, #tpu.memory_space<hbm>>) dst(%arg8 : memref<80x128xf32, #tpu.memory_space<vmem>>)
    %run_scoped3A = arith.constant 124 : i32
    "tpu.region"() ({
      %run_scoped3A_68 = tpu.sem_alloc : memref<!tpu.dma_semaphore, #tpu.memory_space<semaphore_mem>>
      %dma_start3A_69 = arith.constant 0 : i32
      %dma_start3A_70 = tpu.memref_slice %arg7[%run_scoped3A, %dma_start3A_69] : memref<125x80xi32, #tpu.memory_space<vmem>> -> memref<1x80xi32, #tpu.memory_space<vmem>>
      %dma_start3A_71 = tpu.memref_squeeze %dma_start3A_70 : memref<1x80xi32, #tpu.memory_space<vmem>> -> memref<80xi32, #tpu.memory_space<vmem>>
      %dma_start3A_72 = arith.constant 0 : i32
      %dma_start3A_73 = arith.constant 0 : i32
      %dma_start3A_74 = tpu.memref_slice %arg10[%dma_start3A_72, %dma_start3A_73] : memref<10240x128xf32, #tpu.memory_space<vmem_shared>> -> memref<10240x128xf32, #tpu.memory_space<vmem_shared>>
      tpu.enqueue_indirect_dma source(%arg8 : memref<80x128xf32, #tpu.memory_space<vmem>>) target(%dma_start3A_74 : memref<10240x128xf32, #tpu.memory_space<vmem_shared>>) offsets(%dma_start3A_71 : memref<80xi32, #tpu.memory_space<vmem>>) semaphore(%run_scoped3A_68 : memref<!tpu.dma_semaphore, #tpu.memory_space<semaphore_mem>>) {add = true}
      %dma_wait3A_75 = arith.constant 0 : i32
      %dma_wait3A_76 = tpu.memref_slice %arg7[%run_scoped3A, %dma_wait3A_75] : memref<125x80xi32, #tpu.memory_space<vmem>> -> memref<1x80xi32, #tpu.memory_space<vmem>>
      %dma_wait3A_77 = tpu.memref_squeeze %dma_wait3A_76 : memref<1x80xi32, #tpu.memory_space<vmem>> -> memref<80xi32, #tpu.memory_space<vmem>>
      %dma_wait3A_78 = arith.constant 0 : i32
      %dma_wait3A_79 = arith.constant 0 : i32
      %dma_wait3A_80 = tpu.memref_slice %arg10[%dma_wait3A_78, %dma_wait3A_79] : memref<10240x128xf32, #tpu.memory_space<vmem_shared>> -> memref<10240x128xf32, #tpu.memory_space<vmem_shared>>
      tpu.wait_indirect_dma semaphore(%run_scoped3A_68 : memref<!tpu.dma_semaphore, #tpu.memory_space<semaphore_mem>>) src(%arg8 : memref<80x128xf32, #tpu.memory_space<vmem>>) dst(%dma_wait3A_80 : memref<10240x128xf32, #tpu.memory_space<vmem_shared>>)
      tpu.yield
    }) : () -> ()
    %barrier3A_67 = arith.constant 0 : index
    tpu.barrier barrier_id(%barrier3A_67)
    "tpu.region"() ({
      %run_scoped3A_68 = tpu.sem_alloc : memref<!tpu.dma_semaphore, #tpu.memory_space<semaphore_mem>>
      %dma_start3A_69 = arith.constant 0 : i32
      %dma_start3A_70 = tpu.memref_slice %arg5[%arg0, %mul3A_21, %dma_start3A_69] : memref<2x10240x128xf32, #tpu.memory_space<hbm>> -> memref<1x640x128xf32, #tpu.memory_space<hbm>>
      %dma_start3A_71 = tpu.memref_squeeze %dma_start3A_70 : memref<1x640x128xf32, #tpu.memory_space<hbm>> -> memref<640x128xf32, #tpu.memory_space<hbm>>
      %dma_start3A_72 = arith.constant 0 : i32
      %dma_start3A_73 = tpu.memref_slice %arg10[%mul3A_21, %dma_start3A_72] : memref<10240x128xf32, #tpu.memory_space<vmem_shared>> -> memref<640x128xf32, #tpu.memory_space<vmem_shared>>
      tpu.enqueue_dma source(%dma_start3A_73 : memref<640x128xf32, #tpu.memory_space<vmem_shared>>) target(%dma_start3A_71 : memref<640x128xf32, #tpu.memory_space<hbm>>) target_semaphore(%run_scoped3A_68 : memref<!tpu.dma_semaphore, #tpu.memory_space<semaphore_mem>>)
      %dma_wait3A_74 = arith.constant 0 : i32
      %dma_wait3A_75 = tpu.memref_slice %arg5[%arg0, %mul3A_21, %dma_wait3A_74] : memref<2x10240x128xf32, #tpu.memory_space<hbm>> -> memref<1x640x128xf32, #tpu.memory_space<hbm>>
      %dma_wait3A_76 = tpu.memref_squeeze %dma_wait3A_75 : memref<1x640x128xf32, #tpu.memory_space<hbm>> -> memref<640x128xf32, #tpu.memory_space<hbm>>
      %dma_wait3A_77 = arith.constant 0 : i32
      %dma_wait3A_78 = tpu.memref_slice %arg10[%mul3A_21, %dma_wait3A_77] : memref<10240x128xf32, #tpu.memory_space<vmem_shared>> -> memref<640x128xf32, #tpu.memory_space<vmem_shared>>
      tpu.wait_dma2 semaphore(%run_scoped3A_68 : memref<!tpu.dma_semaphore, #tpu.memory_space<semaphore_mem>>) src(%dma_wait3A_78 : memref<640x128xf32, #tpu.memory_space<vmem_shared>>) dst(%dma_wait3A_76 : memref<640x128xf32, #tpu.memory_space<hbm>>)
      tpu.yield
    }) : () -> ()
    return
  }
}

#map = affine_map<(d0, d1) -> (0, 0)>
#map1 = affine_map<(d0, d1) -> (0, 0, 0)>
module attributes {stable_mosaic.version = 14 : i64} {
  func.func @_agg(%arg0: i32, %arg1: i32, %arg2: memref<10000x128xf32, #tpu.memory_space<hbm>>, %arg3: memref<32x10000xi32, #tpu.memory_space<hbm>>, %arg4: memref<32x125x80xi32, #tpu.memory_space<hbm>>, %arg5: memref<2x10240x128xf32, #tpu.memory_space<hbm>>, %arg6: memref<10000xi32, #tpu.memory_space<vmem>>, %arg7: memref<125x80xi32, #tpu.memory_space<vmem>>, %arg8: memref<80x128xf32, #tpu.memory_space<vmem>>, %arg9: memref<80x128xf32, #tpu.memory_space<vmem>>, %arg10: memref<10240x128xf32, #tpu.memory_space<vmem_shared>>, %arg11: memref<!tpu.dma_semaphore, #tpu.memory_space<semaphore_mem>>) attributes {dimension_semantics = [#tpu.dimension_semantics<core_parallel>, #tpu.dimension_semantics<subcore_parallel>], iteration_bounds = array<i64: 2, 16>, scalar_prefetch = 0 : i64, scratch_operands = 6 : i64, tpu.core_type = #tpu.core_type<sc_vector_subcore>, window_params = [{transform_indices = #map}, {transform_indices = #map}, {transform_indices = #map1}, {transform_indices = #map1}]} {
    %mul3A = arith.constant 2 : i32
    %mul3A_0 = arith.muli %arg1, %mul3A : i32
    %add3A = arith.addi %mul3A_0, %arg0 : i32
    %dma_start3A = arith.constant 0 : i32
    %dma_start3A_1 = tpu.memref_slice %arg3[%add3A, %dma_start3A] : memref<32x10000xi32, #tpu.memory_space<hbm>> -> memref<1x10000xi32, #tpu.memory_space<hbm>>
    %dma_start3A_2 = tpu.memref_squeeze %dma_start3A_1 : memref<1x10000xi32, #tpu.memory_space<hbm>> -> memref<10000xi32, #tpu.memory_space<hbm>>
    %dma_start3A_3 = arith.constant 0 : i32
    %dma_start3A_4 = tpu.memref_slice %arg3[%add3A, %dma_start3A_3] : memref<32x10000xi32, #tpu.memory_space<hbm>> -> memref<1x10000xi32, #tpu.memory_space<hbm>>
    %dma_start3A_5 = tpu.memref_squeeze %dma_start3A_4 : memref<1x10000xi32, #tpu.memory_space<hbm>> -> memref<10000xi32, #tpu.memory_space<hbm>>
    tpu.enqueue_dma source(%dma_start3A_5 : memref<10000xi32, #tpu.memory_space<hbm>>) target(%arg6 : memref<10000xi32, #tpu.memory_space<vmem>>) target_semaphore(%arg11 : memref<!tpu.dma_semaphore, #tpu.memory_space<semaphore_mem>>)
    %dma_start3A_6 = arith.constant 0 : i32
    %dma_start3A_7 = arith.constant 0 : i32
    %dma_start3A_8 = tpu.memref_slice %arg4[%add3A, %dma_start3A_6, %dma_start3A_7] : memref<32x125x80xi32, #tpu.memory_space<hbm>> -> memref<1x125x80xi32, #tpu.memory_space<hbm>>
    %dma_start3A_9 = tpu.memref_squeeze %dma_start3A_8 : memref<1x125x80xi32, #tpu.memory_space<hbm>> -> memref<125x80xi32, #tpu.memory_space<hbm>>
    %dma_start3A_10 = arith.constant 0 : i32
    %dma_start3A_11 = arith.constant 0 : i32
    %dma_start3A_12 = tpu.memref_slice %arg4[%add3A, %dma_start3A_10, %dma_start3A_11] : memref<32x125x80xi32, #tpu.memory_space<hbm>> -> memref<1x125x80xi32, #tpu.memory_space<hbm>>
    %dma_start3A_13 = tpu.memref_squeeze %dma_start3A_12 : memref<1x125x80xi32, #tpu.memory_space<hbm>> -> memref<125x80xi32, #tpu.memory_space<hbm>>
    tpu.enqueue_dma source(%dma_start3A_13 : memref<125x80xi32, #tpu.memory_space<hbm>>) target(%arg7 : memref<125x80xi32, #tpu.memory_space<vmem>>) target_semaphore(%arg11 : memref<!tpu.dma_semaphore, #tpu.memory_space<semaphore_mem>>)
    %broadcast_in_dim3A = arith.constant 0.000000e+00 : f32
    %broadcast_in_dim3A_14 = vector.broadcast %broadcast_in_dim3A : f32 to vector<16xf32>
    %scan3A = arith.constant 0 : i32
    %scan3A_15 = arith.constant 0 : i32
    %scan3A_16 = arith.constant 80 : i32
    %scan3A_17 = arith.addi %scan3A_15, %scan3A_16 : i32
    %scan3A_18 = arith.constant 1 : i32
    scf.for %scan3A_68 = %scan3A_15 to %scan3A_17 step %scan3A_18  : i32 {
      %swap3A = arith.index_cast %scan3A_68 : i32 to index
      %swap3A_69 = arith.constant 0 : index
      %swap3A_70 = tpu.vector_load %arg9[%swap3A, %swap3A_69] {strides = array<i32>} : memref<80x128xf32, #tpu.memory_space<vmem>>, vector<1x16xf32>,
      %swap3A_71 = vector.shape_cast %swap3A_70 : vector<1x16xf32> to vector<16xf32>
      %swap3A_72 = vector.shape_cast %broadcast_in_dim3A_14 : vector<16xf32> to vector<1x16xf32>
      tpu.vector_store %arg9[%swap3A, %swap3A_69], %swap3A_72 {strides = array<i32>} : memref<80x128xf32, #tpu.memory_space<vmem>>, vector<1x16xf32>,
      %swap3A_73 = arith.index_cast %scan3A_68 : i32 to index
      %swap3A_74 = arith.constant 16 : index
      %swap3A_75 = tpu.vector_load %arg9[%swap3A_73, %swap3A_74] {strides = array<i32>} : memref<80x128xf32, #tpu.memory_space<vmem>>, vector<1x16xf32>,
      %swap3A_76 = vector.shape_cast %swap3A_75 : vector<1x16xf32> to vector<16xf32>
      %swap3A_77 = vector.shape_cast %broadcast_in_dim3A_14 : vector<16xf32> to vector<1x16xf32>
      tpu.vector_store %arg9[%swap3A_73, %swap3A_74], %swap3A_77 {strides = array<i32>} : memref<80x128xf32, #tpu.memory_space<vmem>>, vector<1x16xf32>,
      %swap3A_78 = arith.index_cast %scan3A_68 : i32 to index
      %swap3A_79 = arith.constant 32 : index
      %swap3A_80 = tpu.vector_load %arg9[%swap3A_78, %swap3A_79] {strides = array<i32>} : memref<80x128xf32, #tpu.memory_space<vmem>>, vector<1x16xf32>,
      %swap3A_81 = vector.shape_cast %swap3A_80 : vector<1x16xf32> to vector<16xf32>
      %swap3A_82 = vector.shape_cast %broadcast_in_dim3A_14 : vector<16xf32> to vector<1x16xf32>
      tpu.vector_store %arg9[%swap3A_78, %swap3A_79], %swap3A_82 {strides = array<i32>} : memref<80x128xf32, #tpu.memory_space<vmem>>, vector<1x16xf32>,
      %swap3A_83 = arith.index_cast %scan3A_68 : i32 to index
      %swap3A_84 = arith.constant 48 : index
      %swap3A_85 = tpu.vector_load %arg9[%swap3A_83, %swap3A_84] {strides = array<i32>} : memref<80x128xf32, #tpu.memory_space<vmem>>, vector<1x16xf32>,
      %swap3A_86 = vector.shape_cast %swap3A_85 : vector<1x16xf32> to vector<16xf32>
      %swap3A_87 = vector.shape_cast %broadcast_in_dim3A_14 : vector<16xf32> to vector<1x16xf32>
      tpu.vector_store %arg9[%swap3A_83, %swap3A_84], %swap3A_87 {strides = array<i32>} : memref<80x128xf32, #tpu.memory_space<vmem>>, vector<1x16xf32>,
      %swap3A_88 = arith.index_cast %scan3A_68 : i32 to index
      %swap3A_89 = arith.constant 64 : index
      %swap3A_90 = tpu.vector_load %arg9[%swap3A_88, %swap3A_89] {strides = array<i32>} : memref<80x128xf32, #tpu.memory_space<vmem>>, vector<1x16xf32>,
      %swap3A_91 = vector.shape_cast %swap3A_90 : vector<1x16xf32> to vector<16xf32>
      %swap3A_92 = vector.shape_cast %broadcast_in_dim3A_14 : vector<16xf32> to vector<1x16xf32>
      tpu.vector_store %arg9[%swap3A_88, %swap3A_89], %swap3A_92 {strides = array<i32>} : memref<80x128xf32, #tpu.memory_space<vmem>>, vector<1x16xf32>,
      %swap3A_93 = arith.index_cast %scan3A_68 : i32 to index
      %swap3A_94 = arith.constant 80 : index
      %swap3A_95 = tpu.vector_load %arg9[%swap3A_93, %swap3A_94] {strides = array<i32>} : memref<80x128xf32, #tpu.memory_space<vmem>>, vector<1x16xf32>,
      %swap3A_96 = vector.shape_cast %swap3A_95 : vector<1x16xf32> to vector<16xf32>
      %swap3A_97 = vector.shape_cast %broadcast_in_dim3A_14 : vector<16xf32> to vector<1x16xf32>
      tpu.vector_store %arg9[%swap3A_93, %swap3A_94], %swap3A_97 {strides = array<i32>} : memref<80x128xf32, #tpu.memory_space<vmem>>, vector<1x16xf32>,
      %swap3A_98 = arith.index_cast %scan3A_68 : i32 to index
      %swap3A_99 = arith.constant 96 : index
      %swap3A_100 = tpu.vector_load %arg9[%swap3A_98, %swap3A_99] {strides = array<i32>} : memref<80x128xf32, #tpu.memory_space<vmem>>, vector<1x16xf32>,
      %swap3A_101 = vector.shape_cast %swap3A_100 : vector<1x16xf32> to vector<16xf32>
      %swap3A_102 = vector.shape_cast %broadcast_in_dim3A_14 : vector<16xf32> to vector<1x16xf32>
      tpu.vector_store %arg9[%swap3A_98, %swap3A_99], %swap3A_102 {strides = array<i32>} : memref<80x128xf32, #tpu.memory_space<vmem>>, vector<1x16xf32>,
      %swap3A_103 = arith.index_cast %scan3A_68 : i32 to index
      %swap3A_104 = arith.constant 112 : index
      %swap3A_105 = tpu.vector_load %arg9[%swap3A_103, %swap3A_104] {strides = array<i32>} : memref<80x128xf32, #tpu.memory_space<vmem>>, vector<1x16xf32>,
      %swap3A_106 = vector.shape_cast %swap3A_105 : vector<1x16xf32> to vector<16xf32>
      %swap3A_107 = vector.shape_cast %broadcast_in_dim3A_14 : vector<16xf32> to vector<1x16xf32>
      tpu.vector_store %arg9[%swap3A_103, %swap3A_104], %swap3A_107 {strides = array<i32>} : memref<80x128xf32, #tpu.memory_space<vmem>>, vector<1x16xf32>,
    }
    %scan3A_19 = arith.constant 80 : i32
    %mul3A_20 = arith.constant 640 : i32
    %mul3A_21 = arith.muli %arg1, %mul3A_20 : i32
    %add3A_22 = arith.constant 0 : i32
    %add3A_23 = arith.addi %mul3A_21, %add3A_22 : i32
    "tpu.region"() ({
      %run_scoped3A_68 = tpu.sem_alloc : memref<!tpu.dma_semaphore, #tpu.memory_space<semaphore_mem>>
      %dma_start3A_69 = arith.constant 0 : i32
      %dma_start3A_70 = tpu.memref_slice %arg10[%add3A_23, %dma_start3A_69] : memref<10240x128xf32, #tpu.memory_space<vmem_shared>> -> memref<80x128xf32, #tpu.memory_space<vmem_shared>>
      %dma_start3A_71 = arith.constant 0 : i32
      %dma_start3A_72 = tpu.memref_slice %arg10[%add3A_23, %dma_start3A_71] : memref<10240x128xf32, #tpu.memory_space<vmem_shared>> -> memref<80x128xf32, #tpu.memory_space<vmem_shared>>
      tpu.enqueue_dma source(%arg9 : memref<80x128xf32, #tpu.memory_space<vmem>>) target(%dma_start3A_72 : memref<80x128xf32, #tpu.memory_space<vmem_shared>>) target_semaphore(%run_scoped3A_68 : memref<!tpu.dma_semaphore, #tpu.memory_space<semaphore_mem>>)
      %dma_wait3A_73 = arith.constant 0 : i32
      %dma_wait3A_74 = tpu.memref_slice %arg10[%add3A_23, %dma_wait3A_73] : memref<10240x128xf32, #tpu.memory_space<vmem_shared>> -> memref<80x128xf32, #tpu.memory_space<vmem_shared>>
      %dma_wait3A_75 = arith.constant 0 : i32
      %dma_wait3A_76 = tpu.memref_slice %arg10[%add3A_23, %dma_wait3A_75] : memref<10240x128xf32, #tpu.memory_space<vmem_shared>> -> memref<80x128xf32, #tpu.memory_space<vmem_shared>>
      tpu.wait_dma2 semaphore(%run_scoped3A_68 : memref<!tpu.dma_semaphore, #tpu.memory_space<semaphore_mem>>) src(%arg9 : memref<80x128xf32, #tpu.memory_space<vmem>>) dst(%dma_wait3A_76 : memref<80x128xf32, #tpu.memory_space<vmem_shared>>)
      tpu.yield
    }) : () -> ()
    %add3A_24 = arith.constant 80 : i32
    %add3A_25 = arith.addi %mul3A_21, %add3A_24 : i32
    "tpu.region"() ({
      %run_scoped3A_68 = tpu.sem_alloc : memref<!tpu.dma_semaphore, #tpu.memory_space<semaphore_mem>>
      %dma_start3A_69 = arith.constant 0 : i32
      %dma_start3A_70 = tpu.memref_slice %arg10[%add3A_25, %dma_start3A_69] : memref<10240x128xf32, #tpu.memory_space<vmem_shared>> -> memref<80x128xf32, #tpu.memory_space<vmem_shared>>
      %dma_start3A_71 = arith.constant 0 : i32
      %dma_start3A_72 = tpu.memref_slice %arg10[%add3A_25, %dma_start3A_71] : memref<10240x128xf32, #tpu.memory_space<vmem_shared>> -> memref<80x128xf32, #tpu.memory_space<vmem_shared>>
      tpu.enqueue_dma source(%arg9 : memref<80x128xf32, #tpu.memory_space<vmem>>) target(%dma_start3A_72 : memref<80x128xf32, #tpu.memory_space<vmem_shared>>) target_semaphore(%run_scoped3A_68 : memref<!tpu.dma_semaphore, #tpu.memory_space<semaphore_mem>>)
      %dma_wait3A_73 = arith.constant 0 : i32
      %dma_wait3A_74 = tpu.memref_slice %arg10[%add3A_25, %dma_wait3A_73] : memref<10240x128xf32, #tpu.memory_space<vmem_shared>> -> memref<80x128xf32, #tpu.memory_space<vmem_shared>>
      %dma_wait3A_75 = arith.constant 0 : i32
      %dma_wait3A_76 = tpu.memref_slice %arg10[%add3A_25, %dma_wait3A_75] : memref<10240x128xf32, #tpu.memory_space<vmem_shared>> -> memref<80x128xf32, #tpu.memory_space<vmem_shared>>
      tpu.wait_dma2 semaphore(%run_scoped3A_68 : memref<!tpu.dma_semaphore, #tpu.memory_space<semaphore_mem>>) src(%arg9 : memref<80x128xf32, #tpu.memory_space<vmem>>) dst(%dma_wait3A_76 : memref<80x128xf32, #tpu.memory_space<vmem_shared>>)
      tpu.yield
    }) : () -> ()
    %add3A_26 = arith.constant 160 : i32
    %add3A_27 = arith.addi %mul3A_21, %add3A_26 : i32
    "tpu.region"() ({
      %run_scoped3A_68 = tpu.sem_alloc : memref<!tpu.dma_semaphore, #tpu.memory_space<semaphore_mem>>
      %dma_start3A_69 = arith.constant 0 : i32
      %dma_start3A_70 = tpu.memref_slice %arg10[%add3A_27, %dma_start3A_69] : memref<10240x128xf32, #tpu.memory_space<vmem_shared>> -> memref<80x128xf32, #tpu.memory_space<vmem_shared>>
      %dma_start3A_71 = arith.constant 0 : i32
      %dma_start3A_72 = tpu.memref_slice %arg10[%add3A_27, %dma_start3A_71] : memref<10240x128xf32, #tpu.memory_space<vmem_shared>> -> memref<80x128xf32, #tpu.memory_space<vmem_shared>>
      tpu.enqueue_dma source(%arg9 : memref<80x128xf32, #tpu.memory_space<vmem>>) target(%dma_start3A_72 : memref<80x128xf32, #tpu.memory_space<vmem_shared>>) target_semaphore(%run_scoped3A_68 : memref<!tpu.dma_semaphore, #tpu.memory_space<semaphore_mem>>)
      %dma_wait3A_73 = arith.constant 0 : i32
      %dma_wait3A_74 = tpu.memref_slice %arg10[%add3A_27, %dma_wait3A_73] : memref<10240x128xf32, #tpu.memory_space<vmem_shared>> -> memref<80x128xf32, #tpu.memory_space<vmem_shared>>
      %dma_wait3A_75 = arith.constant 0 : i32
      %dma_wait3A_76 = tpu.memref_slice %arg10[%add3A_27, %dma_wait3A_75] : memref<10240x128xf32, #tpu.memory_space<vmem_shared>> -> memref<80x128xf32, #tpu.memory_space<vmem_shared>>
      tpu.wait_dma2 semaphore(%run_scoped3A_68 : memref<!tpu.dma_semaphore, #tpu.memory_space<semaphore_mem>>) src(%arg9 : memref<80x128xf32, #tpu.memory_space<vmem>>) dst(%dma_wait3A_76 : memref<80x128xf32, #tpu.memory_space<vmem_shared>>)
      tpu.yield
    }) : () -> ()
    %add3A_28 = arith.constant 240 : i32
    %add3A_29 = arith.addi %mul3A_21, %add3A_28 : i32
    "tpu.region"() ({
      %run_scoped3A_68 = tpu.sem_alloc : memref<!tpu.dma_semaphore, #tpu.memory_space<semaphore_mem>>
      %dma_start3A_69 = arith.constant 0 : i32
      %dma_start3A_70 = tpu.memref_slice %arg10[%add3A_29, %dma_start3A_69] : memref<10240x128xf32, #tpu.memory_space<vmem_shared>> -> memref<80x128xf32, #tpu.memory_space<vmem_shared>>
      %dma_start3A_71 = arith.constant 0 : i32
      %dma_start3A_72 = tpu.memref_slice %arg10[%add3A_29, %dma_start3A_71] : memref<10240x128xf32, #tpu.memory_space<vmem_shared>> -> memref<80x128xf32, #tpu.memory_space<vmem_shared>>
      tpu.enqueue_dma source(%arg9 : memref<80x128xf32, #tpu.memory_space<vmem>>) target(%dma_start3A_72 : memref<80x128xf32, #tpu.memory_space<vmem_shared>>) target_semaphore(%run_scoped3A_68 : memref<!tpu.dma_semaphore, #tpu.memory_space<semaphore_mem>>)
      %dma_wait3A_73 = arith.constant 0 : i32
      %dma_wait3A_74 = tpu.memref_slice %arg10[%add3A_29, %dma_wait3A_73] : memref<10240x128xf32, #tpu.memory_space<vmem_shared>> -> memref<80x128xf32, #tpu.memory_space<vmem_shared>>
      %dma_wait3A_75 = arith.constant 0 : i32
      %dma_wait3A_76 = tpu.memref_slice %arg10[%add3A_29, %dma_wait3A_75] : memref<10240x128xf32, #tpu.memory_space<vmem_shared>> -> memref<80x128xf32, #tpu.memory_space<vmem_shared>>
      tpu.wait_dma2 semaphore(%run_scoped3A_68 : memref<!tpu.dma_semaphore, #tpu.memory_space<semaphore_mem>>) src(%arg9 : memref<80x128xf32, #tpu.memory_space<vmem>>) dst(%dma_wait3A_76 : memref<80x128xf32, #tpu.memory_space<vmem_shared>>)
      tpu.yield
    }) : () -> ()
    %add3A_30 = arith.constant 320 : i32
    %add3A_31 = arith.addi %mul3A_21, %add3A_30 : i32
    "tpu.region"() ({
      %run_scoped3A_68 = tpu.sem_alloc : memref<!tpu.dma_semaphore, #tpu.memory_space<semaphore_mem>>
      %dma_start3A_69 = arith.constant 0 : i32
      %dma_start3A_70 = tpu.memref_slice %arg10[%add3A_31, %dma_start3A_69] : memref<10240x128xf32, #tpu.memory_space<vmem_shared>> -> memref<80x128xf32, #tpu.memory_space<vmem_shared>>
      %dma_start3A_71 = arith.constant 0 : i32
      %dma_start3A_72 = tpu.memref_slice %arg10[%add3A_31, %dma_start3A_71] : memref<10240x128xf32, #tpu.memory_space<vmem_shared>> -> memref<80x128xf32, #tpu.memory_space<vmem_shared>>
      tpu.enqueue_dma source(%arg9 : memref<80x128xf32, #tpu.memory_space<vmem>>) target(%dma_start3A_72 : memref<80x128xf32, #tpu.memory_space<vmem_shared>>) target_semaphore(%run_scoped3A_68 : memref<!tpu.dma_semaphore, #tpu.memory_space<semaphore_mem>>)
      %dma_wait3A_73 = arith.constant 0 : i32
      %dma_wait3A_74 = tpu.memref_slice %arg10[%add3A_31, %dma_wait3A_73] : memref<10240x128xf32, #tpu.memory_space<vmem_shared>> -> memref<80x128xf32, #tpu.memory_space<vmem_shared>>
      %dma_wait3A_75 = arith.constant 0 : i32
      %dma_wait3A_76 = tpu.memref_slice %arg10[%add3A_31, %dma_wait3A_75] : memref<10240x128xf32, #tpu.memory_space<vmem_shared>> -> memref<80x128xf32, #tpu.memory_space<vmem_shared>>
      tpu.wait_dma2 semaphore(%run_scoped3A_68 : memref<!tpu.dma_semaphore, #tpu.memory_space<semaphore_mem>>) src(%arg9 : memref<80x128xf32, #tpu.memory_space<vmem>>) dst(%dma_wait3A_76 : memref<80x128xf32, #tpu.memory_space<vmem_shared>>)
      tpu.yield
    }) : () -> ()
    %add3A_32 = arith.constant 400 : i32
    %add3A_33 = arith.addi %mul3A_21, %add3A_32 : i32
    "tpu.region"() ({
      %run_scoped3A_68 = tpu.sem_alloc : memref<!tpu.dma_semaphore, #tpu.memory_space<semaphore_mem>>
      %dma_start3A_69 = arith.constant 0 : i32
      %dma_start3A_70 = tpu.memref_slice %arg10[%add3A_33, %dma_start3A_69] : memref<10240x128xf32, #tpu.memory_space<vmem_shared>> -> memref<80x128xf32, #tpu.memory_space<vmem_shared>>
      %dma_start3A_71 = arith.constant 0 : i32
      %dma_start3A_72 = tpu.memref_slice %arg10[%add3A_33, %dma_start3A_71] : memref<10240x128xf32, #tpu.memory_space<vmem_shared>> -> memref<80x128xf32, #tpu.memory_space<vmem_shared>>
      tpu.enqueue_dma source(%arg9 : memref<80x128xf32, #tpu.memory_space<vmem>>) target(%dma_start3A_72 : memref<80x128xf32, #tpu.memory_space<vmem_shared>>) target_semaphore(%run_scoped3A_68 : memref<!tpu.dma_semaphore, #tpu.memory_space<semaphore_mem>>)
      %dma_wait3A_73 = arith.constant 0 : i32
      %dma_wait3A_74 = tpu.memref_slice %arg10[%add3A_33, %dma_wait3A_73] : memref<10240x128xf32, #tpu.memory_space<vmem_shared>> -> memref<80x128xf32, #tpu.memory_space<vmem_shared>>
      %dma_wait3A_75 = arith.constant 0 : i32
      %dma_wait3A_76 = tpu.memref_slice %arg10[%add3A_33, %dma_wait3A_75] : memref<10240x128xf32, #tpu.memory_space<vmem_shared>> -> memref<80x128xf32, #tpu.memory_space<vmem_shared>>
      tpu.wait_dma2 semaphore(%run_scoped3A_68 : memref<!tpu.dma_semaphore, #tpu.memory_space<semaphore_mem>>) src(%arg9 : memref<80x128xf32, #tpu.memory_space<vmem>>) dst(%dma_wait3A_76 : memref<80x128xf32, #tpu.memory_space<vmem_shared>>)
      tpu.yield
    }) : () -> ()
    %add3A_34 = arith.constant 480 : i32
    %add3A_35 = arith.addi %mul3A_21, %add3A_34 : i32
    "tpu.region"() ({
      %run_scoped3A_68 = tpu.sem_alloc : memref<!tpu.dma_semaphore, #tpu.memory_space<semaphore_mem>>
      %dma_start3A_69 = arith.constant 0 : i32
      %dma_start3A_70 = tpu.memref_slice %arg10[%add3A_35, %dma_start3A_69] : memref<10240x128xf32, #tpu.memory_space<vmem_shared>> -> memref<80x128xf32, #tpu.memory_space<vmem_shared>>
      %dma_start3A_71 = arith.constant 0 : i32
      %dma_start3A_72 = tpu.memref_slice %arg10[%add3A_35, %dma_start3A_71] : memref<10240x128xf32, #tpu.memory_space<vmem_shared>> -> memref<80x128xf32, #tpu.memory_space<vmem_shared>>
      tpu.enqueue_dma source(%arg9 : memref<80x128xf32, #tpu.memory_space<vmem>>) target(%dma_start3A_72 : memref<80x128xf32, #tpu.memory_space<vmem_shared>>) target_semaphore(%run_scoped3A_68 : memref<!tpu.dma_semaphore, #tpu.memory_space<semaphore_mem>>)
      %dma_wait3A_73 = arith.constant 0 : i32
      %dma_wait3A_74 = tpu.memref_slice %arg10[%add3A_35, %dma_wait3A_73] : memref<10240x128xf32, #tpu.memory_space<vmem_shared>> -> memref<80x128xf32, #tpu.memory_space<vmem_shared>>
      %dma_wait3A_75 = arith.constant 0 : i32
      %dma_wait3A_76 = tpu.memref_slice %arg10[%add3A_35, %dma_wait3A_75] : memref<10240x128xf32, #tpu.memory_space<vmem_shared>> -> memref<80x128xf32, #tpu.memory_space<vmem_shared>>
      tpu.wait_dma2 semaphore(%run_scoped3A_68 : memref<!tpu.dma_semaphore, #tpu.memory_space<semaphore_mem>>) src(%arg9 : memref<80x128xf32, #tpu.memory_space<vmem>>) dst(%dma_wait3A_76 : memref<80x128xf32, #tpu.memory_space<vmem_shared>>)
      tpu.yield
    }) : () -> ()
    %add3A_36 = arith.constant 560 : i32
    %add3A_37 = arith.addi %mul3A_21, %add3A_36 : i32
    "tpu.region"() ({
      %run_scoped3A_68 = tpu.sem_alloc : memref<!tpu.dma_semaphore, #tpu.memory_space<semaphore_mem>>
      %dma_start3A_69 = arith.constant 0 : i32
      %dma_start3A_70 = tpu.memref_slice %arg10[%add3A_37, %dma_start3A_69] : memref<10240x128xf32, #tpu.memory_space<vmem_shared>> -> memref<80x128xf32, #tpu.memory_space<vmem_shared>>
      %dma_start3A_71 = arith.constant 0 : i32
      %dma_start3A_72 = tpu.memref_slice %arg10[%add3A_37, %dma_start3A_71] : memref<10240x128xf32, #tpu.memory_space<vmem_shared>> -> memref<80x128xf32, #tpu.memory_space<vmem_shared>>
      tpu.enqueue_dma source(%arg9 : memref<80x128xf32, #tpu.memory_space<vmem>>) target(%dma_start3A_72 : memref<80x128xf32, #tpu.memory_space<vmem_shared>>) target_semaphore(%run_scoped3A_68 : memref<!tpu.dma_semaphore, #tpu.memory_space<semaphore_mem>>)
      %dma_wait3A_73 = arith.constant 0 : i32
      %dma_wait3A_74 = tpu.memref_slice %arg10[%add3A_37, %dma_wait3A_73] : memref<10240x128xf32, #tpu.memory_space<vmem_shared>> -> memref<80x128xf32, #tpu.memory_space<vmem_shared>>
      %dma_wait3A_75 = arith.constant 0 : i32
      %dma_wait3A_76 = tpu.memref_slice %arg10[%add3A_37, %dma_wait3A_75] : memref<10240x128xf32, #tpu.memory_space<vmem_shared>> -> memref<80x128xf32, #tpu.memory_space<vmem_shared>>
      tpu.wait_dma2 semaphore(%run_scoped3A_68 : memref<!tpu.dma_semaphore, #tpu.memory_space<semaphore_mem>>) src(%arg9 : memref<80x128xf32, #tpu.memory_space<vmem>>) dst(%dma_wait3A_76 : memref<80x128xf32, #tpu.memory_space<vmem_shared>>)
      tpu.yield
    }) : () -> ()
    %dma_wait3A = arith.constant 0 : i32
    %dma_wait3A_38 = tpu.memref_slice %arg3[%add3A, %dma_wait3A] : memref<32x10000xi32, #tpu.memory_space<hbm>> -> memref<1x10000xi32, #tpu.memory_space<hbm>>
    %dma_wait3A_39 = tpu.memref_squeeze %dma_wait3A_38 : memref<1x10000xi32, #tpu.memory_space<hbm>> -> memref<10000xi32, #tpu.memory_space<hbm>>
    %dma_wait3A_40 = arith.constant 0 : i32
    %dma_wait3A_41 = tpu.memref_slice %arg3[%add3A, %dma_wait3A_40] : memref<32x10000xi32, #tpu.memory_space<hbm>> -> memref<1x10000xi32, #tpu.memory_space<hbm>>
    %dma_wait3A_42 = tpu.memref_squeeze %dma_wait3A_41 : memref<1x10000xi32, #tpu.memory_space<hbm>> -> memref<10000xi32, #tpu.memory_space<hbm>>
    tpu.wait_dma2 semaphore(%arg11 : memref<!tpu.dma_semaphore, #tpu.memory_space<semaphore_mem>>) src(%dma_wait3A_42 : memref<10000xi32, #tpu.memory_space<hbm>>) dst(%arg6 : memref<10000xi32, #tpu.memory_space<vmem>>)
    %dma_wait3A_43 = arith.constant 0 : i32
    %dma_wait3A_44 = arith.constant 0 : i32
    %dma_wait3A_45 = tpu.memref_slice %arg4[%add3A, %dma_wait3A_43, %dma_wait3A_44] : memref<32x125x80xi32, #tpu.memory_space<hbm>> -> memref<1x125x80xi32, #tpu.memory_space<hbm>>
    %dma_wait3A_46 = tpu.memref_squeeze %dma_wait3A_45 : memref<1x125x80xi32, #tpu.memory_space<hbm>> -> memref<125x80xi32, #tpu.memory_space<hbm>>
    %dma_wait3A_47 = arith.constant 0 : i32
    %dma_wait3A_48 = arith.constant 0 : i32
    %dma_wait3A_49 = tpu.memref_slice %arg4[%add3A, %dma_wait3A_47, %dma_wait3A_48] : memref<32x125x80xi32, #tpu.memory_space<hbm>> -> memref<1x125x80xi32, #tpu.memory_space<hbm>>
    %dma_wait3A_50 = tpu.memref_squeeze %dma_wait3A_49 : memref<1x125x80xi32, #tpu.memory_space<hbm>> -> memref<125x80xi32, #tpu.memory_space<hbm>>
    tpu.wait_dma2 semaphore(%arg11 : memref<!tpu.dma_semaphore, #tpu.memory_space<semaphore_mem>>) src(%dma_wait3A_50 : memref<125x80xi32, #tpu.memory_space<hbm>>) dst(%arg7 : memref<125x80xi32, #tpu.memory_space<vmem>>)
    %barrier3A = arith.constant 0 : index
    tpu.barrier barrier_id(%barrier3A)
    %dma_start3A_51 = arith.constant 0 : i32
    %dma_start3A_52 = tpu.memref_slice %arg6[%dma_start3A_51] : memref<10000xi32, #tpu.memory_space<vmem>> -> memref<80xi32, #tpu.memory_space<vmem>>
    %dma_start3A_53 = arith.constant 0 : i32
    %dma_start3A_54 = arith.constant 0 : i32
    %dma_start3A_55 = tpu.memref_slice %arg2[%dma_start3A_53, %dma_start3A_54] : memref<10000x128xf32, #tpu.memory_space<hbm>> -> memref<10000x128xf32, #tpu.memory_space<hbm>>
    tpu.enqueue_indirect_dma source(%dma_start3A_55 : memref<10000x128xf32, #tpu.memory_space<hbm>>) target(%arg8 : memref<80x128xf32, #tpu.memory_space<vmem>>) offsets(%dma_start3A_52 : memref<80xi32, #tpu.memory_space<vmem>>) semaphore(%arg11 : memref<!tpu.dma_semaphore, #tpu.memory_space<semaphore_mem>>)
    %scan3A_56 = arith.constant 0 : i32
    %scan3A_57 = arith.constant 0 : i32
    %scan3A_58 = arith.constant 62 : i32
    %scan3A_59 = arith.addi %scan3A_57, %scan3A_58 : i32
    %scan3A_60 = arith.constant 1 : i32
    scf.for %scan3A_68 = %scan3A_57 to %scan3A_59 step %scan3A_60  : i32 {
      %mul3A_69 = arith.constant 2 : i32
      %mul3A_70 = arith.muli %mul3A_69, %scan3A_68 : i32
      %add3A_71 = arith.constant 1 : i32
      %add3A_72 = arith.addi %mul3A_70, %add3A_71 : i32
      %mul3A_73 = arith.constant 80 : i32
      %mul3A_74 = arith.muli %add3A_72, %mul3A_73 : i32
      %dma_start3A_75 = tpu.memref_slice %arg6[%mul3A_74] : memref<10000xi32, #tpu.memory_space<vmem>> -> memref<80xi32, #tpu.memory_space<vmem>>
      %dma_start3A_76 = arith.constant 0 : i32
      %dma_start3A_77 = arith.constant 0 : i32
      %dma_start3A_78 = tpu.memref_slice %arg2[%dma_start3A_76, %dma_start3A_77] : memref<10000x128xf32, #tpu.memory_space<hbm>> -> memref<10000x128xf32, #tpu.memory_space<hbm>>
      tpu.enqueue_indirect_dma source(%dma_start3A_78 : memref<10000x128xf32, #tpu.memory_space<hbm>>) target(%arg9 : memref<80x128xf32, #tpu.memory_space<vmem>>) offsets(%dma_start3A_75 : memref<80xi32, #tpu.memory_space<vmem>>) semaphore(%arg11 : memref<!tpu.dma_semaphore, #tpu.memory_space<semaphore_mem>>)
      %mul3A_79 = arith.constant 80 : i32
      %mul3A_80 = arith.muli %mul3A_70, %mul3A_79 : i32
      %dma_wait3A_81 = tpu.memref_slice %arg6[%mul3A_80] : memref<10000xi32, #tpu.memory_space<vmem>> -> memref<80xi32, #tpu.memory_space<vmem>>
      %dma_wait3A_82 = arith.constant 0 : i32
      %dma_wait3A_83 = arith.constant 0 : i32
      %dma_wait3A_84 = tpu.memref_slice %arg2[%dma_wait3A_82, %dma_wait3A_83] : memref<10000x128xf32, #tpu.memory_space<hbm>> -> memref<10000x128xf32, #tpu.memory_space<hbm>>
      tpu.wait_indirect_dma semaphore(%arg11 : memref<!tpu.dma_semaphore, #tpu.memory_space<semaphore_mem>>) src(%dma_wait3A_84 : memref<10000x128xf32, #tpu.memory_space<hbm>>) dst(%arg8 : memref<80x128xf32, #tpu.memory_space<vmem>>)
      "tpu.region"() ({
        %run_scoped3A_103 = tpu.sem_alloc : memref<!tpu.dma_semaphore, #tpu.memory_space<semaphore_mem>>
        %dma_start3A_104 = arith.constant 0 : i32
        %dma_start3A_105 = tpu.memref_slice %arg7[%mul3A_70, %dma_start3A_104] : memref<125x80xi32, #tpu.memory_space<vmem>> -> memref<1x80xi32, #tpu.memory_space<vmem>>
        %dma_start3A_106 = tpu.memref_squeeze %dma_start3A_105 : memref<1x80xi32, #tpu.memory_space<vmem>> -> memref<80xi32, #tpu.memory_space<vmem>>
        %dma_start3A_107 = arith.constant 0 : i32
        %dma_start3A_108 = arith.constant 0 : i32
        %dma_start3A_109 = tpu.memref_slice %arg10[%dma_start3A_107, %dma_start3A_108] : memref<10240x128xf32, #tpu.memory_space<vmem_shared>> -> memref<10240x128xf32, #tpu.memory_space<vmem_shared>>
        tpu.enqueue_indirect_dma source(%arg8 : memref<80x128xf32, #tpu.memory_space<vmem>>) target(%dma_start3A_109 : memref<10240x128xf32, #tpu.memory_space<vmem_shared>>) offsets(%dma_start3A_106 : memref<80xi32, #tpu.memory_space<vmem>>) semaphore(%run_scoped3A_103 : memref<!tpu.dma_semaphore, #tpu.memory_space<semaphore_mem>>) {add = true}
        %dma_wait3A_110 = arith.constant 0 : i32
        %dma_wait3A_111 = tpu.memref_slice %arg7[%mul3A_70, %dma_wait3A_110] : memref<125x80xi32, #tpu.memory_space<vmem>> -> memref<1x80xi32, #tpu.memory_space<vmem>>
        %dma_wait3A_112 = tpu.memref_squeeze %dma_wait3A_111 : memref<1x80xi32, #tpu.memory_space<vmem>> -> memref<80xi32, #tpu.memory_space<vmem>>
        %dma_wait3A_113 = arith.constant 0 : i32
        %dma_wait3A_114 = arith.constant 0 : i32
        %dma_wait3A_115 = tpu.memref_slice %arg10[%dma_wait3A_113, %dma_wait3A_114] : memref<10240x128xf32, #tpu.memory_space<vmem_shared>> -> memref<10240x128xf32, #tpu.memory_space<vmem_shared>>
        tpu.wait_indirect_dma semaphore(%run_scoped3A_103 : memref<!tpu.dma_semaphore, #tpu.memory_space<semaphore_mem>>) src(%arg8 : memref<80x128xf32, #tpu.memory_space<vmem>>) dst(%dma_wait3A_115 : memref<10240x128xf32, #tpu.memory_space<vmem_shared>>)
        tpu.yield
      }) : () -> ()
      %add3A_85 = arith.constant 2 : i32
      %add3A_86 = arith.addi %mul3A_70, %add3A_85 : i32
      %mul3A_87 = arith.constant 80 : i32
      %mul3A_88 = arith.muli %add3A_86, %mul3A_87 : i32
      %dma_start3A_89 = tpu.memref_slice %arg6[%mul3A_88] : memref<10000xi32, #tpu.memory_space<vmem>> -> memref<80xi32, #tpu.memory_space<vmem>>
      %dma_start3A_90 = arith.constant 0 : i32
      %dma_start3A_91 = arith.constant 0 : i32
      %dma_start3A_92 = tpu.memref_slice %arg2[%dma_start3A_90, %dma_start3A_91] : memref<10000x128xf32, #tpu.memory_space<hbm>> -> memref<10000x128xf32, #tpu.memory_space<hbm>>
      tpu.enqueue_indirect_dma source(%dma_start3A_92 : memref<10000x128xf32, #tpu.memory_space<hbm>>) target(%arg8 : memref<80x128xf32, #tpu.memory_space<vmem>>) offsets(%dma_start3A_89 : memref<80xi32, #tpu.memory_space<vmem>>) semaphore(%arg11 : memref<!tpu.dma_semaphore, #tpu.memory_space<semaphore_mem>>)
      %add3A_93 = arith.constant 1 : i32
      %add3A_94 = arith.addi %mul3A_70, %add3A_93 : i32
      %mul3A_95 = arith.constant 80 : i32
      %mul3A_96 = arith.muli %add3A_94, %mul3A_95 : i32
      %dma_wait3A_97 = tpu.memref_slice %arg6[%mul3A_96] : memref<10000xi32, #tpu.memory_space<vmem>> -> memref<80xi32, #tpu.memory_space<vmem>>
      %dma_wait3A_98 = arith.constant 0 : i32
      %dma_wait3A_99 = arith.constant 0 : i32
      %dma_wait3A_100 = tpu.memref_slice %arg2[%dma_wait3A_98, %dma_wait3A_99] : memref<10000x128xf32, #tpu.memory_space<hbm>> -> memref<10000x128xf32, #tpu.memory_space<hbm>>
      tpu.wait_indirect_dma semaphore(%arg11 : memref<!tpu.dma_semaphore, #tpu.memory_space<semaphore_mem>>) src(%dma_wait3A_100 : memref<10000x128xf32, #tpu.memory_space<hbm>>) dst(%arg9 : memref<80x128xf32, #tpu.memory_space<vmem>>)
      %add3A_101 = arith.constant 1 : i32
      %add3A_102 = arith.addi %mul3A_70, %add3A_101 : i32
      "tpu.region"() ({
        %run_scoped3A_103 = tpu.sem_alloc : memref<!tpu.dma_semaphore, #tpu.memory_space<semaphore_mem>>
        %dma_start3A_104 = arith.constant 0 : i32
        %dma_start3A_105 = tpu.memref_slice %arg7[%add3A_102, %dma_start3A_104] : memref<125x80xi32, #tpu.memory_space<vmem>> -> memref<1x80xi32, #tpu.memory_space<vmem>>
        %dma_start3A_106 = tpu.memref_squeeze %dma_start3A_105 : memref<1x80xi32, #tpu.memory_space<vmem>> -> memref<80xi32, #tpu.memory_space<vmem>>
        %dma_start3A_107 = arith.constant 0 : i32
        %dma_start3A_108 = arith.constant 0 : i32
        %dma_start3A_109 = tpu.memref_slice %arg10[%dma_start3A_107, %dma_start3A_108] : memref<10240x128xf32, #tpu.memory_space<vmem_shared>> -> memref<10240x128xf32, #tpu.memory_space<vmem_shared>>
        tpu.enqueue_indirect_dma source(%arg9 : memref<80x128xf32, #tpu.memory_space<vmem>>) target(%dma_start3A_109 : memref<10240x128xf32, #tpu.memory_space<vmem_shared>>) offsets(%dma_start3A_106 : memref<80xi32, #tpu.memory_space<vmem>>) semaphore(%run_scoped3A_103 : memref<!tpu.dma_semaphore, #tpu.memory_space<semaphore_mem>>) {add = true}
        %dma_wait3A_110 = arith.constant 0 : i32
        %dma_wait3A_111 = tpu.memref_slice %arg7[%add3A_102, %dma_wait3A_110] : memref<125x80xi32, #tpu.memory_space<vmem>> -> memref<1x80xi32, #tpu.memory_space<vmem>>
        %dma_wait3A_112 = tpu.memref_squeeze %dma_wait3A_111 : memref<1x80xi32, #tpu.memory_space<vmem>> -> memref<80xi32, #tpu.memory_space<vmem>>
        %dma_wait3A_113 = arith.constant 0 : i32
        %dma_wait3A_114 = arith.constant 0 : i32
        %dma_wait3A_115 = tpu.memref_slice %arg10[%dma_wait3A_113, %dma_wait3A_114] : memref<10240x128xf32, #tpu.memory_space<vmem_shared>> -> memref<10240x128xf32, #tpu.memory_space<vmem_shared>>
        tpu.wait_indirect_dma semaphore(%run_scoped3A_103 : memref<!tpu.dma_semaphore, #tpu.memory_space<semaphore_mem>>) src(%arg9 : memref<80x128xf32, #tpu.memory_space<vmem>>) dst(%dma_wait3A_115 : memref<10240x128xf32, #tpu.memory_space<vmem_shared>>)
        tpu.yield
      }) : () -> ()
    }
    %scan3A_61 = arith.constant 62 : i32
    %dma_wait3A_62 = arith.constant 9920 : i32
    %dma_wait3A_63 = tpu.memref_slice %arg6[%dma_wait3A_62] : memref<10000xi32, #tpu.memory_space<vmem>> -> memref<80xi32, #tpu.memory_space<vmem>>
    %dma_wait3A_64 = arith.constant 0 : i32
    %dma_wait3A_65 = arith.constant 0 : i32
    %dma_wait3A_66 = tpu.memref_slice %arg2[%dma_wait3A_64, %dma_wait3A_65] : memref<10000x128xf32, #tpu.memory_space<hbm>> -> memref<10000x128xf32, #tpu.memory_space<hbm>>
    tpu.wait_indirect_dma semaphore(%arg11 : memref<!tpu.dma_semaphore, #tpu.memory_space<semaphore_mem>>) src(%dma_wait3A_66 : memref<10000x128xf32, #tpu.memory_space<hbm>>) dst(%arg8 : memref<80x128xf32, #tpu.memory_space<vmem>>)
    %run_scoped3A = arith.constant 124 : i32
    "tpu.region"() ({
      %run_scoped3A_68 = tpu.sem_alloc : memref<!tpu.dma_semaphore, #tpu.memory_space<semaphore_mem>>
      %dma_start3A_69 = arith.constant 0 : i32
      %dma_start3A_70 = tpu.memref_slice %arg7[%run_scoped3A, %dma_start3A_69] : memref<125x80xi32, #tpu.memory_space<vmem>> -> memref<1x80xi32, #tpu.memory_space<vmem>>
      %dma_start3A_71 = tpu.memref_squeeze %dma_start3A_70 : memref<1x80xi32, #tpu.memory_space<vmem>> -> memref<80xi32, #tpu.memory_space<vmem>>
      %dma_start3A_72 = arith.constant 0 : i32
      %dma_start3A_73 = arith.constant 0 : i32
      %dma_start3A_74 = tpu.memref_slice %arg10[%dma_start3A_72, %dma_start3A_73] : memref<10240x128xf32, #tpu.memory_space<vmem_shared>> -> memref<10240x128xf32, #tpu.memory_space<vmem_shared>>
      tpu.enqueue_indirect_dma source(%arg8 : memref<80x128xf32, #tpu.memory_space<vmem>>) target(%dma_start3A_74 : memref<10240x128xf32, #tpu.memory_space<vmem_shared>>) offsets(%dma_start3A_71 : memref<80xi32, #tpu.memory_space<vmem>>) semaphore(%run_scoped3A_68 : memref<!tpu.dma_semaphore, #tpu.memory_space<semaphore_mem>>) {add = true}
      %dma_wait3A_75 = arith.constant 0 : i32
      %dma_wait3A_76 = tpu.memref_slice %arg7[%run_scoped3A, %dma_wait3A_75] : memref<125x80xi32, #tpu.memory_space<vmem>> -> memref<1x80xi32, #tpu.memory_space<vmem>>
      %dma_wait3A_77 = tpu.memref_squeeze %dma_wait3A_76 : memref<1x80xi32, #tpu.memory_space<vmem>> -> memref<80xi32, #tpu.memory_space<vmem>>
      %dma_wait3A_78 = arith.constant 0 : i32
      %dma_wait3A_79 = arith.constant 0 : i32
      %dma_wait3A_80 = tpu.memref_slice %arg10[%dma_wait3A_78, %dma_wait3A_79] : memref<10240x128xf32, #tpu.memory_space<vmem_shared>> -> memref<10240x128xf32, #tpu.memory_space<vmem_shared>>
      tpu.wait_indirect_dma semaphore(%run_scoped3A_68 : memref<!tpu.dma_semaphore, #tpu.memory_space<semaphore_mem>>) src(%arg8 : memref<80x128xf32, #tpu.memory_space<vmem>>) dst(%dma_wait3A_80 : memref<10240x128xf32, #tpu.memory_space<vmem_shared>>)
      tpu.yield
    }) : () -> ()
    %barrier3A_67 = arith.constant 0 : index
    tpu.barrier barrier_id(%barrier3A_67)
    "tpu.region"() ({
      %run_scoped3A_68 = tpu.sem_alloc : memref<!tpu.dma_semaphore, #tpu.memory_space<semaphore_mem>>
      %dma_start3A_69 = arith.constant 0 : i32
      %dma_start3A_70 = tpu.memref_slice %arg5[%arg0, %mul3A_21, %dma_start3A_69] : memref<2x10240x128xf32, #tpu.memory_space<hbm>> -> memref<1x640x128xf32, #tpu.memory_space<hbm>>
      %dma_start3A_71 = tpu.memref_squeeze %dma_start3A_70 : memref<1x640x128xf32, #tpu.memory_space<hbm>> -> memref<640x128xf32, #tpu.memory_space<hbm>>
      %dma_start3A_72 = arith.constant 0 : i32
      %dma_start3A_73 = tpu.memref_slice %arg10[%mul3A_21, %dma_start3A_72] : memref<10240x128xf32, #tpu.memory_space<vmem_shared>> -> memref<640x128xf32, #tpu.memory_space<vmem_shared>>
      tpu.enqueue_dma source(%dma_start3A_73 : memref<640x128xf32, #tpu.memory_space<vmem_shared>>) target(%dma_start3A_71 : memref<640x128xf32, #tpu.memory_space<hbm>>) target_semaphore(%run_scoped3A_68 : memref<!tpu.dma_semaphore, #tpu.memory_space<semaphore_mem>>)
      %dma_wait3A_74 = arith.constant 0 : i32
      %dma_wait3A_75 = tpu.memref_slice %arg5[%arg0, %mul3A_21, %dma_wait3A_74] : memref<2x10240x128xf32, #tpu.memory_space<hbm>> -> memref<1x640x128xf32, #tpu.memory_space<hbm>>
      %dma_wait3A_76 = tpu.memref_squeeze %dma_wait3A_75 : memref<1x640x128xf32, #tpu.memory_space<hbm>> -> memref<640x128xf32, #tpu.memory_space<hbm>>
      %dma_wait3A_77 = arith.constant 0 : i32
      %dma_wait3A_78 = tpu.memref_slice %arg10[%mul3A_21, %dma_wait3A_77] : memref<10240x128xf32, #tpu.memory_space<vmem_shared>> -> memref<640x128xf32, #tpu.memory_space<vmem_shared>>
      tpu.wait_dma2 semaphore(%run_scoped3A_68 : memref<!tpu.dma_semaphore, #tpu.memory_space<semaphore_mem>>) src(%dma_wait3A_78 : memref<640x128xf32, #tpu.memory_space<vmem_shared>>) dst(%dma_wait3A_76 : memref<640x128xf32, #tpu.memory_space<hbm>>)
      tpu.yield
    }) : () -> ()
    return
  }
}

#map = affine_map<(d0, d1) -> (0, 0, 0)>
#map1 = affine_map<(d0, d1) -> (0)>
module attributes {stable_mosaic.version = 14 : i64} {
  func.func @_deg(%arg0: i32, %arg1: i32, %arg2: memref<32x125x80xi32, #tpu.memory_space<hbm>>, %arg3: memref<20480xf32, #tpu.memory_space<hbm>>, %arg4: memref<125x80xi32, #tpu.memory_space<vmem>>, %arg5: memref<80xf32, #tpu.memory_space<vmem>>, %arg6: memref<640xf32, #tpu.memory_space<vmem>>, %arg7: memref<10240xf32, #tpu.memory_space<vmem_shared>>, %arg8: memref<!tpu.dma_semaphore, #tpu.memory_space<semaphore_mem>>) attributes {dimension_semantics = [#tpu.dimension_semantics<core_parallel>, #tpu.dimension_semantics<subcore_parallel>], iteration_bounds = array<i64: 2, 16>, scalar_prefetch = 0 : i64, scratch_operands = 5 : i64, tpu.core_type = #tpu.core_type<sc_vector_subcore>, window_params = [{transform_indices = #map}, {transform_indices = #map1}]} {
    %mul3A = arith.constant 2 : i32
    %mul3A_0 = arith.muli %arg1, %mul3A : i32
    %add3A = arith.addi %mul3A_0, %arg0 : i32
    %broadcast_in_dim3A = arith.constant 1.000000e+00 : f32
    %broadcast_in_dim3A_1 = vector.broadcast %broadcast_in_dim3A : f32 to vector<16xf32>
    %broadcast_in_dim3A_2 = arith.constant 0.000000e+00 : f32
    %broadcast_in_dim3A_3 = vector.broadcast %broadcast_in_dim3A_2 : f32 to vector<16xf32>
    %swap3A = arith.constant 0 : index
    %swap3A_4 = tpu.vector_load %arg5[%swap3A] {strides = array<i32>} : memref<80xf32, #tpu.memory_space<vmem>>, vector<16xf32>,
    %swap3A_5 = vector.shape_cast %swap3A_4 : vector<16xf32> to vector<16xf32>
    %swap3A_6 = vector.shape_cast %broadcast_in_dim3A_1 : vector<16xf32> to vector<16xf32>
    tpu.vector_store %arg5[%swap3A], %swap3A_6 {strides = array<i32>} : memref<80xf32, #tpu.memory_space<vmem>>, vector<16xf32>,
    %swap3A_7 = arith.constant 16 : index
    %swap3A_8 = tpu.vector_load %arg5[%swap3A_7] {strides = array<i32>} : memref<80xf32, #tpu.memory_space<vmem>>, vector<16xf32>,
    %swap3A_9 = vector.shape_cast %swap3A_8 : vector<16xf32> to vector<16xf32>
    %swap3A_10 = vector.shape_cast %broadcast_in_dim3A_1 : vector<16xf32> to vector<16xf32>
    tpu.vector_store %arg5[%swap3A_7], %swap3A_10 {strides = array<i32>} : memref<80xf32, #tpu.memory_space<vmem>>, vector<16xf32>,
    %swap3A_11 = arith.constant 32 : index
    %swap3A_12 = tpu.vector_load %arg5[%swap3A_11] {strides = array<i32>} : memref<80xf32, #tpu.memory_space<vmem>>, vector<16xf32>,
    %swap3A_13 = vector.shape_cast %swap3A_12 : vector<16xf32> to vector<16xf32>
    %swap3A_14 = vector.shape_cast %broadcast_in_dim3A_1 : vector<16xf32> to vector<16xf32>
    tpu.vector_store %arg5[%swap3A_11], %swap3A_14 {strides = array<i32>} : memref<80xf32, #tpu.memory_space<vmem>>, vector<16xf32>,
    %swap3A_15 = arith.constant 48 : index
    %swap3A_16 = tpu.vector_load %arg5[%swap3A_15] {strides = array<i32>} : memref<80xf32, #tpu.memory_space<vmem>>, vector<16xf32>,
    %swap3A_17 = vector.shape_cast %swap3A_16 : vector<16xf32> to vector<16xf32>
    %swap3A_18 = vector.shape_cast %broadcast_in_dim3A_1 : vector<16xf32> to vector<16xf32>
    tpu.vector_store %arg5[%swap3A_15], %swap3A_18 {strides = array<i32>} : memref<80xf32, #tpu.memory_space<vmem>>, vector<16xf32>,
    %swap3A_19 = arith.constant 64 : index
    %swap3A_20 = tpu.vector_load %arg5[%swap3A_19] {strides = array<i32>} : memref<80xf32, #tpu.memory_space<vmem>>, vector<16xf32>,
    %swap3A_21 = vector.shape_cast %swap3A_20 : vector<16xf32> to vector<16xf32>
    %swap3A_22 = vector.shape_cast %broadcast_in_dim3A_1 : vector<16xf32> to vector<16xf32>
    tpu.vector_store %arg5[%swap3A_19], %swap3A_22 {strides = array<i32>} : memref<80xf32, #tpu.memory_space<vmem>>, vector<16xf32>,
    %dma_start3A = arith.constant 0 : i32
    %dma_start3A_23 = arith.constant 0 : i32
    %dma_start3A_24 = tpu.memref_slice %arg2[%add3A, %dma_start3A, %dma_start3A_23] : memref<32x125x80xi32, #tpu.memory_space<hbm>> -> memref<1x125x80xi32, #tpu.memory_space<hbm>>
    %dma_start3A_25 = tpu.memref_squeeze %dma_start3A_24 : memref<1x125x80xi32, #tpu.memory_space<hbm>> -> memref<125x80xi32, #tpu.memory_space<hbm>>
    %dma_start3A_26 = arith.constant 0 : i32
    %dma_start3A_27 = arith.constant 0 : i32
    %dma_start3A_28 = tpu.memref_slice %arg2[%add3A, %dma_start3A_26, %dma_start3A_27] : memref<32x125x80xi32, #tpu.memory_space<hbm>> -> memref<1x125x80xi32, #tpu.memory_space<hbm>>
    %dma_start3A_29 = tpu.memref_squeeze %dma_start3A_28 : memref<1x125x80xi32, #tpu.memory_space<hbm>> -> memref<125x80xi32, #tpu.memory_space<hbm>>
    tpu.enqueue_dma source(%dma_start3A_29 : memref<125x80xi32, #tpu.memory_space<hbm>>) target(%arg4 : memref<125x80xi32, #tpu.memory_space<vmem>>) target_semaphore(%arg8 : memref<!tpu.dma_semaphore, #tpu.memory_space<semaphore_mem>>)
    %scan3A = arith.constant 0 : i32
    %scan3A_30 = arith.constant 0 : i32
    %scan3A_31 = arith.constant 40 : i32
    %scan3A_32 = arith.addi %scan3A_30, %scan3A_31 : i32
    %scan3A_33 = arith.constant 1 : i32
    scf.for %scan3A_58 = %scan3A_30 to %scan3A_32 step %scan3A_33  : i32 {
      %mul3A_59 = arith.constant 16 : i32
      %mul3A_60 = arith.muli %scan3A_58, %mul3A_59 : i32
      %swap3A_61 = arith.index_cast %mul3A_60 : i32 to index
      %swap3A_62 = tpu.vector_load %arg6[%swap3A_61] {strides = array<i32>} : memref<640xf32, #tpu.memory_space<vmem>>, vector<16xf32>,
      %swap3A_63 = vector.shape_cast %swap3A_62 : vector<16xf32> to vector<16xf32>
      %swap3A_64 = vector.shape_cast %broadcast_in_dim3A_3 : vector<16xf32> to vector<16xf32>
      tpu.vector_store %arg6[%swap3A_61], %swap3A_64 {strides = array<i32>} : memref<640xf32, #tpu.memory_space<vmem>>, vector<16xf32>,
    }
    %scan3A_34 = arith.constant 40 : i32
    %mul3A_35 = arith.constant 640 : i32
    %mul3A_36 = arith.muli %arg1, %mul3A_35 : i32
    "tpu.region"() ({
      %run_scoped3A = tpu.sem_alloc : memref<!tpu.dma_semaphore, #tpu.memory_space<semaphore_mem>>
      %dma_start3A_58 = tpu.memref_slice %arg7[%mul3A_36] : memref<10240xf32, #tpu.memory_space<vmem_shared>> -> memref<640xf32, #tpu.memory_space<vmem_shared>>
      %dma_start3A_59 = tpu.memref_slice %arg7[%mul3A_36] : memref<10240xf32, #tpu.memory_space<vmem_shared>> -> memref<640xf32, #tpu.memory_space<vmem_shared>>
      tpu.enqueue_dma source(%arg6 : memref<640xf32, #tpu.memory_space<vmem>>) target(%dma_start3A_59 : memref<640xf32, #tpu.memory_space<vmem_shared>>) target_semaphore(%run_scoped3A : memref<!tpu.dma_semaphore, #tpu.memory_space<semaphore_mem>>)
      %dma_wait3A_60 = tpu.memref_slice %arg7[%mul3A_36] : memref<10240xf32, #tpu.memory_space<vmem_shared>> -> memref<640xf32, #tpu.memory_space<vmem_shared>>
      %dma_wait3A_61 = tpu.memref_slice %arg7[%mul3A_36] : memref<10240xf32, #tpu.memory_space<vmem_shared>> -> memref<640xf32, #tpu.memory_space<vmem_shared>>
      tpu.wait_dma2 semaphore(%run_scoped3A : memref<!tpu.dma_semaphore, #tpu.memory_space<semaphore_mem>>) src(%arg6 : memref<640xf32, #tpu.memory_space<vmem>>) dst(%dma_wait3A_61 : memref<640xf32, #tpu.memory_space<vmem_shared>>)
      tpu.yield
    }) : () -> ()
    %dma_wait3A = arith.constant 0 : i32
    %dma_wait3A_37 = arith.constant 0 : i32
    %dma_wait3A_38 = tpu.memref_slice %arg2[%add3A, %dma_wait3A, %dma_wait3A_37] : memref<32x125x80xi32, #tpu.memory_space<hbm>> -> memref<1x125x80xi32, #tpu.memory_space<hbm>>
    %dma_wait3A_39 = tpu.memref_squeeze %dma_wait3A_38 : memref<1x125x80xi32, #tpu.memory_space<hbm>> -> memref<125x80xi32, #tpu.memory_space<hbm>>
    %dma_wait3A_40 = arith.constant 0 : i32
    %dma_wait3A_41 = arith.constant 0 : i32
    %dma_wait3A_42 = tpu.memref_slice %arg2[%add3A, %dma_wait3A_40, %dma_wait3A_41] : memref<32x125x80xi32, #tpu.memory_space<hbm>> -> memref<1x125x80xi32, #tpu.memory_space<hbm>>
    %dma_wait3A_43 = tpu.memref_squeeze %dma_wait3A_42 : memref<1x125x80xi32, #tpu.memory_space<hbm>> -> memref<125x80xi32, #tpu.memory_space<hbm>>
    tpu.wait_dma2 semaphore(%arg8 : memref<!tpu.dma_semaphore, #tpu.memory_space<semaphore_mem>>) src(%dma_wait3A_43 : memref<125x80xi32, #tpu.memory_space<hbm>>) dst(%arg4 : memref<125x80xi32, #tpu.memory_space<vmem>>)
    %barrier3A = arith.constant 0 : index
    tpu.barrier barrier_id(%barrier3A)
    %scan3A_44 = arith.constant 0 : i32
    %scan3A_45 = arith.constant 0 : i32
    %scan3A_46 = arith.constant 125 : i32
    %scan3A_47 = arith.addi %scan3A_45, %scan3A_46 : i32
    %scan3A_48 = arith.constant 1 : i32
    scf.for %scan3A_58 = %scan3A_45 to %scan3A_47 step %scan3A_48  : i32 {
      "tpu.region"() ({
        %run_scoped3A = tpu.sem_alloc : memref<!tpu.dma_semaphore, #tpu.memory_space<semaphore_mem>>
        %dma_start3A_59 = arith.constant 0 : i32
        %dma_start3A_60 = tpu.memref_slice %arg4[%scan3A_58, %dma_start3A_59] : memref<125x80xi32, #tpu.memory_space<vmem>> -> memref<1x80xi32, #tpu.memory_space<vmem>>
        %dma_start3A_61 = tpu.memref_squeeze %dma_start3A_60 : memref<1x80xi32, #tpu.memory_space<vmem>> -> memref<80xi32, #tpu.memory_space<vmem>>
        %dma_start3A_62 = arith.constant 0 : i32
        %dma_start3A_63 = tpu.memref_slice %arg7[%dma_start3A_62] : memref<10240xf32, #tpu.memory_space<vmem_shared>> -> memref<10240xf32, #tpu.memory_space<vmem_shared>>
        tpu.enqueue_indirect_dma source(%arg5 : memref<80xf32, #tpu.memory_space<vmem>>) target(%dma_start3A_63 : memref<10240xf32, #tpu.memory_space<vmem_shared>>) offsets(%dma_start3A_61 : memref<80xi32, #tpu.memory_space<vmem>>) semaphore(%run_scoped3A : memref<!tpu.dma_semaphore, #tpu.memory_space<semaphore_mem>>) {add = true}
        %dma_wait3A_64 = arith.constant 0 : i32
        %dma_wait3A_65 = tpu.memref_slice %arg4[%scan3A_58, %dma_wait3A_64] : memref<125x80xi32, #tpu.memory_space<vmem>> -> memref<1x80xi32, #tpu.memory_space<vmem>>
        %dma_wait3A_66 = tpu.memref_squeeze %dma_wait3A_65 : memref<1x80xi32, #tpu.memory_space<vmem>> -> memref<80xi32, #tpu.memory_space<vmem>>
        %dma_wait3A_67 = arith.constant 0 : i32
        %dma_wait3A_68 = tpu.memref_slice %arg7[%dma_wait3A_67] : memref<10240xf32, #tpu.memory_space<vmem_shared>> -> memref<10240xf32, #tpu.memory_space<vmem_shared>>
        tpu.wait_indirect_dma semaphore(%run_scoped3A : memref<!tpu.dma_semaphore, #tpu.memory_space<semaphore_mem>>) src(%arg5 : memref<80xf32, #tpu.memory_space<vmem>>) dst(%dma_wait3A_68 : memref<10240xf32, #tpu.memory_space<vmem_shared>>)
        tpu.yield
      }) : () -> ()
    }
    %scan3A_49 = arith.constant 125 : i32
    %barrier3A_50 = arith.constant 0 : index
    tpu.barrier barrier_id(%barrier3A_50)
    %mul3A_51 = arith.constant 640 : i32
    %mul3A_52 = arith.muli %arg1, %mul3A_51 : i32
    %mul3A_53 = arith.constant 10240 : i32
    %mul3A_54 = arith.muli %arg0, %mul3A_53 : i32
    %mul3A_55 = arith.constant 640 : i32
    %mul3A_56 = arith.muli %arg1, %mul3A_55 : i32
    %add3A_57 = arith.addi %mul3A_54, %mul3A_56 : i32
    "tpu.region"() ({
      %run_scoped3A = tpu.sem_alloc : memref<!tpu.dma_semaphore, #tpu.memory_space<semaphore_mem>>
      %dma_start3A_58 = tpu.memref_slice %arg3[%add3A_57] : memref<20480xf32, #tpu.memory_space<hbm>> -> memref<640xf32, #tpu.memory_space<hbm>>
      %dma_start3A_59 = tpu.memref_slice %arg7[%mul3A_52] : memref<10240xf32, #tpu.memory_space<vmem_shared>> -> memref<640xf32, #tpu.memory_space<vmem_shared>>
      tpu.enqueue_dma source(%dma_start3A_59 : memref<640xf32, #tpu.memory_space<vmem_shared>>) target(%dma_start3A_58 : memref<640xf32, #tpu.memory_space<hbm>>) target_semaphore(%run_scoped3A : memref<!tpu.dma_semaphore, #tpu.memory_space<semaphore_mem>>)
      %dma_wait3A_60 = tpu.memref_slice %arg3[%add3A_57] : memref<20480xf32, #tpu.memory_space<hbm>> -> memref<640xf32, #tpu.memory_space<hbm>>
      %dma_wait3A_61 = tpu.memref_slice %arg7[%mul3A_52] : memref<10240xf32, #tpu.memory_space<vmem_shared>> -> memref<640xf32, #tpu.memory_space<vmem_shared>>
      tpu.wait_dma2 semaphore(%run_scoped3A : memref<!tpu.dma_semaphore, #tpu.memory_space<semaphore_mem>>) src(%dma_wait3A_61 : memref<640xf32, #tpu.memory_space<vmem_shared>>) dst(%dma_wait3A_60 : memref<640xf32, #tpu.memory_space<hbm>>)
      tpu.yield
    }) : () -> ()
    return
  }
}

module attributes {stable_mosaic.version = 14 : i64} {
  func.func @_zmat_body(%arg0: i32, %arg1: memref<1000x128xf32, #tpu.memory_space<vmem>>, %arg2: memref<128x128xf32, #tpu.memory_space<vmem>>, %arg3: memref<1000x1xf32, #tpu.memory_space<vmem>>, %arg4: memref<1000x1xf32, #tpu.memory_space<vmem>>, %arg5: memref<1000x128xf32, #tpu.memory_space<vmem>>) attributes {dimension_semantics = [#tpu.dimension_semantics<arbitrary>], iteration_bounds = array<i64: 10>, scalar_prefetch = 0 : i64, scratch_operands = 0 : i64, tpu.core_type = #tpu.core_type<tc>, window_params = [{transform_indices = @transform_0, window_bounds = array<i64: 1000, 128>}, {pipeline_mode = #tpu.pipeline_mode<synchronous>, transform_indices = @transform_1, window_bounds = array<i64: 128, 128>}, {transform_indices = @transform_2, window_bounds = array<i64: 1000, 1>}, {transform_indices = @transform_3, window_bounds = array<i64: 1000, 1>}, {transform_indices = @transform_4, window_bounds = array<i64: 1000, 128>}]} {
    %get3A = arith.constant 0 : index
    %get3A_0 = arith.constant 0 : index
    %get3A_1 = vector.load %arg1[%get3A, %get3A_0] : memref<1000x128xf32, #tpu.memory_space<vmem>>, vector<1000x128xf32>
    %get3A_2 = arith.constant 0 : index
    %get3A_3 = arith.constant 0 : index
    %get3A_4 = vector.load %arg2[%get3A_2, %get3A_3] : memref<128x128xf32, #tpu.memory_space<vmem>>, vector<128x128xf32>
    %dot_general3A = arith.constant dense<0.000000e+00> : vector<1000x128xf32>
    %dot_general3A_5 = tpu.matmul %get3A_1, %get3A_4, %dot_general3A {dimension_numbers = #tpu.dot_dimension_numbers<[1], [0], [0], [1], [0, 0, 1, 1], [], []>, transpose_lhs_hint = false} : vector<1000x128xf32>, vector<128x128xf32>, vector<1000x128xf32> -> vector<1000x128xf32>
    %get3A_6 = arith.constant 0 : index
    %get3A_7 = arith.constant 0 : index
    %get3A_8 = vector.load %arg3[%get3A_6, %get3A_7] : memref<1000x1xf32, #tpu.memory_space<vmem>>, vector<1000x1xf32>
    %get3A_9 = arith.constant 0 : index
    %get3A_10 = arith.constant 0 : index
    %get3A_11 = vector.load %arg4[%get3A_9, %get3A_10] : memref<1000x1xf32, #tpu.memory_space<vmem>>, vector<1000x1xf32>
    %add3A = arith.addf %get3A_8, %get3A_11 : vector<1000x1xf32>
    %add3A_12 = arith.constant 1.000000e+00 : f32
    %add3A_13 = vector.broadcast %add3A_12 : f32 to vector<1000x1xf32>
    %add3A_14 = arith.addf %add3A, %add3A_13 : vector<1000x1xf32>
    %rsqrt3A = math.rsqrt %add3A_14 : vector<1000x1xf32>
    %mul3A = vector.broadcast %rsqrt3A : vector<1000x1xf32> to vector<1000x128xf32>
    %mul3A_15 = arith.mulf %dot_general3A_5, %mul3A : vector<1000x128xf32>
    %swap3A = arith.constant 0 : index
    %swap3A_16 = arith.constant 0 : index
    %swap3A_17 = vector.load %arg5[%swap3A, %swap3A_16] : memref<1000x128xf32, #tpu.memory_space<vmem>>, vector<1000x128xf32>
    tpu.vector_store %arg5[%swap3A, %swap3A_16], %mul3A_15 {strides = array<i32>} : memref<1000x128xf32, #tpu.memory_space<vmem>>, vector<1000x128xf32>,
    return
  }
  func.func @transform_0(%arg0: i32) -> (i32, i32) {
    %c0_i32 = arith.constant 0 : i32
    %c0_i32_0 = arith.constant 0 : i32
    return %arg0, %c0_i32 : i32, i32
  }
  func.func @transform_1(%arg0: i32) -> (i32, i32) {
    %c0_i32 = arith.constant 0 : i32
    %c0_i32_0 = arith.constant 0 : i32
    %c0_i32_1 = arith.constant 0 : i32
    return %c0_i32, %c0_i32_0 : i32, i32
  }
  func.func @transform_2(%arg0: i32) -> (i32, i32) {
    %c0_i32 = arith.constant 0 : i32
    %c0_i32_0 = arith.constant 0 : i32
    return %arg0, %c0_i32 : i32, i32
  }
  func.func @transform_3(%arg0: i32) -> (i32, i32) {
    %c0_i32 = arith.constant 0 : i32
    %c0_i32_0 = arith.constant 0 : i32
    return %arg0, %c0_i32 : i32, i32
  }
  func.func @transform_4(%arg0: i32) -> (i32, i32) {
    %c0_i32 = arith.constant 0 : i32
    %c0_i32_0 = arith.constant 0 : i32
    return %arg0, %c0_i32 : i32, i32
  }
}

module attributes {stable_mosaic.version = 14 : i64} {
  func.func @_comb_body(%arg0: i32, %arg1: memref<2x1000x128xf32, #tpu.memory_space<vmem>>, %arg2: memref<1000x128xf32, #tpu.memory_space<vmem>>, %arg3: memref<1000x1xf32, #tpu.memory_space<vmem>>, %arg4: memref<1000x1xf32, #tpu.memory_space<vmem>>, %arg5: memref<1x128xf32, #tpu.memory_space<vmem>>, %arg6: memref<128x128xf32, #tpu.memory_space<vmem>>, %arg7: memref<1000x128xf32, #tpu.memory_space<vmem>>) attributes {dimension_semantics = [#tpu.dimension_semantics<arbitrary>], iteration_bounds = array<i64: 10>, scalar_prefetch = 0 : i64, scratch_operands = 0 : i64, tpu.core_type = #tpu.core_type<tc>, window_params = [{transform_indices = @transform_0, window_bounds = array<i64: 2, 1000, 128>}, {transform_indices = @transform_1, window_bounds = array<i64: 1000, 128>}, {transform_indices = @transform_2, window_bounds = array<i64: 1000, 1>}, {transform_indices = @transform_3, window_bounds = array<i64: 1000, 1>}, {pipeline_mode = #tpu.pipeline_mode<synchronous>, transform_indices = @transform_4, window_bounds = array<i64: 1, 128>}, {pipeline_mode = #tpu.pipeline_mode<synchronous>, transform_indices = @transform_5, window_bounds = array<i64: 128, 128>}, {transform_indices = @transform_6, window_bounds = array<i64: 1000, 128>}]} {
    %get3A = arith.constant 0 : index
    %get3A_0 = arith.constant 0 : index
    %get3A_1 = vector.load %arg3[%get3A, %get3A_0] : memref<1000x1xf32, #tpu.memory_space<vmem>>, vector<1000x1xf32>
    %get3A_2 = arith.constant 0 : index
    %get3A_3 = arith.constant 0 : index
    %get3A_4 = vector.load %arg4[%get3A_2, %get3A_3] : memref<1000x1xf32, #tpu.memory_space<vmem>>, vector<1000x1xf32>
    %add3A = arith.addf %get3A_1, %get3A_4 : vector<1000x1xf32>
    %add3A_5 = arith.constant 1.000000e+00 : f32
    %add3A_6 = vector.broadcast %add3A_5 : f32 to vector<1000x1xf32>
    %add3A_7 = arith.addf %add3A, %add3A_6 : vector<1000x1xf32>
    %rsqrt3A = math.rsqrt %add3A_7 : vector<1000x1xf32>
    %get3A_8 = arith.constant 0 : index
    %get3A_9 = arith.constant 0 : index
    %get3A_10 = arith.constant 0 : index
    %get3A_11 = vector.load %arg1[%get3A_8, %get3A_9, %get3A_10] : memref<2x1000x128xf32, #tpu.memory_space<vmem>>, vector<1x1000x128xf32>
    %get3A_12 = vector.shape_cast %get3A_11 : vector<1x1000x128xf32> to vector<1000x128xf32>
    %get3A_13 = arith.constant 1 : index
    %get3A_14 = arith.constant 0 : index
    %get3A_15 = arith.constant 0 : index
    %get3A_16 = vector.load %arg1[%get3A_13, %get3A_14, %get3A_15] : memref<2x1000x128xf32, #tpu.memory_space<vmem>>, vector<1x1000x128xf32>
    %get3A_17 = vector.shape_cast %get3A_16 : vector<1x1000x128xf32> to vector<1000x128xf32>
    %add3A_18 = arith.addf %get3A_12, %get3A_17 : vector<1000x128xf32>
    %get3A_19 = arith.constant 0 : index
    %get3A_20 = arith.constant 0 : index
    %get3A_21 = vector.load %arg2[%get3A_19, %get3A_20] : memref<1000x128xf32, #tpu.memory_space<vmem>>, vector<1000x128xf32>
    %add3A_22 = arith.addf %add3A_18, %get3A_21 : vector<1000x128xf32>
    %mul3A = vector.broadcast %rsqrt3A : vector<1000x1xf32> to vector<1000x128xf32>
    %mul3A_23 = arith.mulf %add3A_22, %mul3A : vector<1000x128xf32>
    %get3A_24 = arith.constant 0 : index
    %get3A_25 = arith.constant 0 : index
    %get3A_26 = vector.load %arg5[%get3A_24, %get3A_25] : memref<1x128xf32, #tpu.memory_space<vmem>>, vector<1x128xf32>
    %add3A_27 = vector.broadcast %get3A_26 : vector<1x128xf32> to vector<1000x128xf32>
    %add3A_28 = arith.addf %mul3A_23, %add3A_27 : vector<1000x128xf32>
    %max3A = arith.constant 0.000000e+00 : f32
    %max3A_29 = vector.broadcast %max3A : f32 to vector<1000x128xf32>
    %max3A_30 = arith.maximumf %add3A_28, %max3A_29 : vector<1000x128xf32>
    %get3A_31 = arith.constant 0 : index
    %get3A_32 = arith.constant 0 : index
    %get3A_33 = vector.load %arg6[%get3A_31, %get3A_32] : memref<128x128xf32, #tpu.memory_space<vmem>>, vector<128x128xf32>
    %dot_general3A = arith.constant dense<0.000000e+00> : vector<1000x128xf32>
    %dot_general3A_34 = tpu.matmul %max3A_30, %get3A_33, %dot_general3A {dimension_numbers = #tpu.dot_dimension_numbers<[1], [0], [0], [1], [0, 0, 1, 1], [], []>, transpose_lhs_hint = false} : vector<1000x128xf32>, vector<128x128xf32>, vector<1000x128xf32> -> vector<1000x128xf32>
    %mul3A_35 = vector.broadcast %rsqrt3A : vector<1000x1xf32> to vector<1000x128xf32>
    %mul3A_36 = arith.mulf %dot_general3A_34, %mul3A_35 : vector<1000x128xf32>
    %swap3A = arith.constant 0 : index
    %swap3A_37 = arith.constant 0 : index
    %swap3A_38 = vector.load %arg7[%swap3A, %swap3A_37] : memref<1000x128xf32, #tpu.memory_space<vmem>>, vector<1000x128xf32>
    tpu.vector_store %arg7[%swap3A, %swap3A_37], %mul3A_36 {strides = array<i32>} : memref<1000x128xf32, #tpu.memory_space<vmem>>, vector<1000x128xf32>,
    return
  }
  func.func @transform_0(%arg0: i32) -> (i32, i32, i32) {
    %c0_i32 = arith.constant 0 : i32
    %c0_i32_0 = arith.constant 0 : i32
    %c0_i32_1 = arith.constant 0 : i32
    return %c0_i32, %arg0, %c0_i32_0 : i32, i32, i32
  }
  func.func @transform_1(%arg0: i32) -> (i32, i32) {
    %c0_i32 = arith.constant 0 : i32
    %c0_i32_0 = arith.constant 0 : i32
    return %arg0, %c0_i32 : i32, i32
  }
  func.func @transform_2(%arg0: i32) -> (i32, i32) {
    %c0_i32 = arith.constant 0 : i32
    %c0_i32_0 = arith.constant 0 : i32
    return %arg0, %c0_i32 : i32, i32
  }
  func.func @transform_3(%arg0: i32) -> (i32, i32) {
    %c0_i32 = arith.constant 0 : i32
    %c0_i32_0 = arith.constant 0 : i32
    return %arg0, %c0_i32 : i32, i32
  }
  func.func @transform_4(%arg0: i32) -> (i32, i32) {
    %c0_i32 = arith.constant 0 : i32
    %c0_i32_0 = arith.constant 0 : i32
    %c0_i32_1 = arith.constant 0 : i32
    return %c0_i32, %c0_i32_0 : i32, i32
  }
  func.func @transform_5(%arg0: i32) -> (i32, i32) {
    %c0_i32 = arith.constant 0 : i32
    %c0_i32_0 = arith.constant 0 : i32
    %c0_i32_1 = arith.constant 0 : i32
    return %c0_i32, %c0_i32_0 : i32, i32
  }
  func.func @transform_6(%arg0: i32) -> (i32, i32) {
    %c0_i32 = arith.constant 0 : i32
    %c0_i32_0 = arith.constant 0 : i32
    return %arg0, %c0_i32 : i32, i32
  }
}

module attributes {stable_mosaic.version = 14 : i64} {
  func.func @_fin_body(%arg0: i32, %arg1: memref<2x1000x128xf32, #tpu.memory_space<vmem>>, %arg2: memref<1000x128xf32, #tpu.memory_space<vmem>>, %arg3: memref<1000x1xf32, #tpu.memory_space<vmem>>, %arg4: memref<1000x1xf32, #tpu.memory_space<vmem>>, %arg5: memref<1x128xf32, #tpu.memory_space<vmem>>, %arg6: memref<1000x1xi32, #tpu.memory_space<vmem>>, %arg7: memref<128x2xf32, #tpu.memory_space<vmem>>, %arg8: memref<1x2xf32, #tpu.memory_space<vmem>>, %arg9: memref<64x2xf32, #tpu.memory_space<vmem>>, %arg10: memref<64x2xf32, #tpu.memory_space<vmem>>, %arg11: memref<64x128xf32, #tpu.memory_space<vmem>>, %arg12: memref<64x1xf32, #tpu.memory_space<vmem>>) attributes {dimension_semantics = [#tpu.dimension_semantics<arbitrary>], iteration_bounds = array<i64: 10>, scalar_prefetch = 0 : i64, scratch_operands = 2 : i64, tpu.core_type = #tpu.core_type<tc>, window_params = [{transform_indices = @transform_0, window_bounds = array<i64: 2, 1000, 128>}, {transform_indices = @transform_1, window_bounds = array<i64: 1000, 128>}, {transform_indices = @transform_2, window_bounds = array<i64: 1000, 1>}, {transform_indices = @transform_3, window_bounds = array<i64: 1000, 1>}, {pipeline_mode = #tpu.pipeline_mode<synchronous>, transform_indices = @transform_4, window_bounds = array<i64: 1, 128>}, {transform_indices = @transform_5, window_bounds = array<i64: 1000, 1>}, {pipeline_mode = #tpu.pipeline_mode<synchronous>, transform_indices = @transform_6, window_bounds = array<i64: 128, 2>}, {pipeline_mode = #tpu.pipeline_mode<synchronous>, transform_indices = @transform_7, window_bounds = array<i64: 1, 2>}, {pipeline_mode = #tpu.pipeline_mode<synchronous>, transform_indices = @transform_8, window_bounds = array<i64: 64, 2>}, {pipeline_mode = #tpu.pipeline_mode<synchronous>, transform_indices = @transform_9, window_bounds = array<i64: 64, 2>}]} {
    %eq3A = arith.constant 0 : i32
    %eq3A_0 = arith.cmpi eq, %arg0, %eq3A : i32
    %convert_element_type3A = arith.extui %eq3A_0 : i1 to i32
    %cond3A = arith.constant 0 : i32
    %cond3A_1 = arith.cmpi ne, %convert_element_type3A, %cond3A : i32
    scf.if %cond3A_1 {
      %broadcast_in_dim3A_63 = arith.constant 0.000000e+00 : f32
      %broadcast_in_dim3A_64 = vector.broadcast %broadcast_in_dim3A_63 : f32 to vector<64x128xf32>
      %swap3A_65 = arith.constant 0 : index
      %swap3A_66 = arith.constant 0 : index
      %swap3A_67 = vector.load %arg11[%swap3A_65, %swap3A_66] : memref<64x128xf32, #tpu.memory_space<vmem>>, vector<64x128xf32>
      tpu.vector_store %arg11[%swap3A_65, %swap3A_66], %broadcast_in_dim3A_64 {strides = array<i32>} : memref<64x128xf32, #tpu.memory_space<vmem>>, vector<64x128xf32>,
      %broadcast_in_dim3A_68 = arith.constant 0.000000e+00 : f32
      %broadcast_in_dim3A_69 = vector.broadcast %broadcast_in_dim3A_68 : f32 to vector<64x1xf32>
      %swap3A_70 = arith.constant 0 : index
      %swap3A_71 = arith.constant 0 : index
      %swap3A_72 = vector.load %arg12[%swap3A_70, %swap3A_71] : memref<64x1xf32, #tpu.memory_space<vmem>>, vector<64x1xf32>
      tpu.vector_store %arg12[%swap3A_70, %swap3A_71], %broadcast_in_dim3A_69 {strides = array<i32>} : memref<64x1xf32, #tpu.memory_space<vmem>>, vector<64x1xf32>,
    } else {
    }
    %get3A = arith.constant 0 : index
    %get3A_2 = arith.constant 0 : index
    %get3A_3 = vector.load %arg3[%get3A, %get3A_2] : memref<1000x1xf32, #tpu.memory_space<vmem>>, vector<1000x1xf32>
    %get3A_4 = arith.constant 0 : index
    %get3A_5 = arith.constant 0 : index
    %get3A_6 = vector.load %arg4[%get3A_4, %get3A_5] : memref<1000x1xf32, #tpu.memory_space<vmem>>, vector<1000x1xf32>
    %add3A = arith.addf %get3A_3, %get3A_6 : vector<1000x1xf32>
    %add3A_7 = arith.constant 1.000000e+00 : f32
    %add3A_8 = vector.broadcast %add3A_7 : f32 to vector<1000x1xf32>
    %add3A_9 = arith.addf %add3A, %add3A_8 : vector<1000x1xf32>
    %rsqrt3A = math.rsqrt %add3A_9 : vector<1000x1xf32>
    %get3A_10 = arith.constant 0 : index
    %get3A_11 = arith.constant 0 : index
    %get3A_12 = arith.constant 0 : index
    %get3A_13 = vector.load %arg1[%get3A_10, %get3A_11, %get3A_12] : memref<2x1000x128xf32, #tpu.memory_space<vmem>>, vector<1x1000x128xf32>
    %get3A_14 = vector.shape_cast %get3A_13 : vector<1x1000x128xf32> to vector<1000x128xf32>
    %get3A_15 = arith.constant 1 : index
    %get3A_16 = arith.constant 0 : index
    %get3A_17 = arith.constant 0 : index
    %get3A_18 = vector.load %arg1[%get3A_15, %get3A_16, %get3A_17] : memref<2x1000x128xf32, #tpu.memory_space<vmem>>, vector<1x1000x128xf32>
    %get3A_19 = vector.shape_cast %get3A_18 : vector<1x1000x128xf32> to vector<1000x128xf32>
    %add3A_20 = arith.addf %get3A_14, %get3A_19 : vector<1000x128xf32>
    %get3A_21 = arith.constant 0 : index
    %get3A_22 = arith.constant 0 : index
    %get3A_23 = vector.load %arg2[%get3A_21, %get3A_22] : memref<1000x128xf32, #tpu.memory_space<vmem>>, vector<1000x128xf32>
    %add3A_24 = arith.addf %add3A_20, %get3A_23 : vector<1000x128xf32>
    %mul3A = vector.broadcast %rsqrt3A : vector<1000x1xf32> to vector<1000x128xf32>
    %mul3A_25 = arith.mulf %add3A_24, %mul3A : vector<1000x128xf32>
    %get3A_26 = arith.constant 0 : index
    %get3A_27 = arith.constant 0 : index
    %get3A_28 = vector.load %arg5[%get3A_26, %get3A_27] : memref<1x128xf32, #tpu.memory_space<vmem>>, vector<1x128xf32>
    %add3A_29 = vector.broadcast %get3A_28 : vector<1x128xf32> to vector<1000x128xf32>
    %add3A_30 = arith.addf %mul3A_25, %add3A_29 : vector<1000x128xf32>
    %max3A = arith.constant 0.000000e+00 : f32
    %max3A_31 = vector.broadcast %max3A : f32 to vector<1000x128xf32>
    %max3A_32 = arith.maximumf %add3A_30, %max3A_31 : vector<1000x128xf32>
    %get3A_33 = arith.constant 0 : index
    %get3A_34 = arith.constant 0 : index
    %get3A_35 = vector.load %arg6[%get3A_33, %get3A_34] : memref<1000x1xi32, #tpu.memory_space<vmem>>, vector<1000x1xi32>
    %iota3A = tpu.iota {dimensions = array<i32: 1>} : vector<1x64xi32>
    %eq3A_36 = vector.broadcast %get3A_35 : vector<1000x1xi32> to vector<1000x64xi32>
    %eq3A_37 = vector.broadcast %iota3A : vector<1x64xi32> to vector<1000x64xi32>
    %eq3A_38 = arith.cmpi eq, %eq3A_36, %eq3A_37 : vector<1000x64xi32>
    %convert_element_type3A_39 = arith.extui %eq3A_38 : vector<1000x64xi1> to vector<1000x64xi32>
    %convert_element_type3A_40 = arith.sitofp %convert_element_type3A_39 : vector<1000x64xi32> to vector<1000x64xf32>
    %get3A_41 = arith.constant 0 : index
    %get3A_42 = arith.constant 0 : index
    %get3A_43 = vector.load %arg11[%get3A_41, %get3A_42] : memref<64x128xf32, #tpu.memory_space<vmem>>, vector<64x128xf32>
    %dot_general3A = arith.constant dense<0.000000e+00> : vector<64x128xf32>
    %dot_general3A_44 = tpu.matmul %convert_element_type3A_40, %max3A_32, %dot_general3A {dimension_numbers = #tpu.dot_dimension_numbers<[0], [0], [1], [1], [0, 1, 1, 1], [], []>, transpose_lhs_hint = false} : vector<1000x64xf32>, vector<1000x128xf32>, vector<64x128xf32> -> vector<64x128xf32>
    %add3A_45 = arith.addf %get3A_43, %dot_general3A_44 : vector<64x128xf32>
    %swap3A = arith.constant 0 : index
    %swap3A_46 = arith.constant 0 : index
    %swap3A_47 = vector.load %arg11[%swap3A, %swap3A_46] : memref<64x128xf32, #tpu.memory_space<vmem>>, vector<64x128xf32>
    tpu.vector_store %arg11[%swap3A, %swap3A_46], %add3A_45 {strides = array<i32>} : memref<64x128xf32, #tpu.memory_space<vmem>>, vector<64x128xf32>,
    %get3A_48 = arith.constant 0 : index
    %get3A_49 = arith.constant 0 : index
    %get3A_50 = vector.load %arg12[%get3A_48, %get3A_49] : memref<64x1xf32, #tpu.memory_space<vmem>>, vector<64x1xf32>
    %broadcast_in_dim3A = arith.constant 1.000000e+00 : f32
    %broadcast_in_dim3A_51 = vector.broadcast %broadcast_in_dim3A : f32 to vector<1000x1xf32>
    %dot_general3A_52 = arith.constant dense<0.000000e+00> : vector<64x1xf32>
    %dot_general3A_53 = tpu.matmul %convert_element_type3A_40, %broadcast_in_dim3A_51, %dot_general3A_52 {dimension_numbers = #tpu.dot_dimension_numbers<[0], [0], [1], [1], [0, 1, 1, 1], [], []>, transpose_lhs_hint = false} : vector<1000x64xf32>, vector<1000x1xf32>, vector<64x1xf32> -> vector<64x1xf32>
    %add3A_54 = arith.addf %get3A_50, %dot_general3A_53 : vector<64x1xf32>
    %swap3A_55 = arith.constant 0 : index
    %swap3A_56 = arith.constant 0 : index
    %swap3A_57 = vector.load %arg12[%swap3A_55, %swap3A_56] : memref<64x1xf32, #tpu.memory_space<vmem>>, vector<64x1xf32>
    tpu.vector_store %arg12[%swap3A_55, %swap3A_56], %add3A_54 {strides = array<i32>} : memref<64x1xf32, #tpu.memory_space<vmem>>, vector<64x1xf32>,
    %eq3A_58 = arith.constant 9 : i32
    %eq3A_59 = arith.cmpi eq, %arg0, %eq3A_58 : i32
    %convert_element_type3A_60 = arith.extui %eq3A_59 : i1 to i32
    %cond3A_61 = arith.constant 0 : i32
    %cond3A_62 = arith.cmpi ne, %convert_element_type3A_60, %cond3A_61 : i32
    scf.if %cond3A_62 {
      %get3A_63 = arith.constant 0 : index
      %get3A_64 = arith.constant 0 : index
      %get3A_65 = vector.load %arg11[%get3A_63, %get3A_64] : memref<64x128xf32, #tpu.memory_space<vmem>>, vector<64x128xf32>
      %get3A_66 = arith.constant 0 : index
      %get3A_67 = arith.constant 0 : index
      %get3A_68 = vector.load %arg12[%get3A_66, %get3A_67] : memref<64x1xf32, #tpu.memory_space<vmem>>, vector<64x1xf32>
      %max3A_69 = arith.constant 1.000000e+00 : f32
      %max3A_70 = vector.broadcast %max3A_69 : f32 to vector<64x1xf32>
      %max3A_71 = arith.maximumf %get3A_68, %max3A_70 : vector<64x1xf32>
      %div3A = vector.broadcast %max3A_71 : vector<64x1xf32> to vector<64x128xf32>
      %div3A_72 = arith.divf %get3A_65, %div3A : vector<64x128xf32>
      %get3A_73 = arith.constant 0 : index
      %get3A_74 = arith.constant 0 : index
      %get3A_75 = vector.load %arg7[%get3A_73, %get3A_74] : memref<128x2xf32, #tpu.memory_space<vmem>>, vector<128x2xf32>
      %dot_general3A_76 = arith.constant dense<0.000000e+00> : vector<64x2xf32>
      %dot_general3A_77 = tpu.matmul %div3A_72, %get3A_75, %dot_general3A_76 {dimension_numbers = #tpu.dot_dimension_numbers<[1], [0], [0], [1], [0, 0, 1, 1], [], []>, transpose_lhs_hint = false} : vector<64x128xf32>, vector<128x2xf32>, vector<64x2xf32> -> vector<64x2xf32>
      %get3A_78 = arith.constant 0 : index
      %get3A_79 = arith.constant 0 : index
      %get3A_80 = vector.load %arg8[%get3A_78, %get3A_79] : memref<1x2xf32, #tpu.memory_space<vmem>>, vector<1x2xf32>
      %add3A_81 = vector.broadcast %get3A_80 : vector<1x2xf32> to vector<64x2xf32>
      %add3A_82 = arith.addf %dot_general3A_77, %add3A_81 : vector<64x2xf32>
      %swap3A_83 = arith.constant 0 : index
      %swap3A_84 = arith.constant 0 : index
      %swap3A_85 = vector.load %arg9[%swap3A_83, %swap3A_84] : memref<64x2xf32, #tpu.memory_space<vmem>>, vector<64x2xf32>
      tpu.vector_store %arg9[%swap3A_83, %swap3A_84], %add3A_82 {strides = array<i32>} : memref<64x2xf32, #tpu.memory_space<vmem>>, vector<64x2xf32>,
      %reduce_max3A = arith.constant dense<0xFF800000> : vector<64xf32>
      %reduce_max3A_86 = vector.multi_reduction <maximumf>, %add3A_82, %reduce_max3A [1] : vector<64x2xf32> to vector<64xf32>
      %broadcast_in_dim3A_87 = vector.shape_cast %reduce_max3A_86 : vector<64xf32> to vector<64x1xf32>
      %sub3A = vector.broadcast %broadcast_in_dim3A_87 : vector<64x1xf32> to vector<64x2xf32>
      %sub3A_88 = arith.subf %add3A_82, %sub3A : vector<64x2xf32>
      %exp3A = math.exp %sub3A_88 : vector<64x2xf32>
      %reduce_sum3A = arith.constant dense<0.000000e+00> : vector<64xf32>
      %reduce_sum3A_89 = vector.multi_reduction <add>, %exp3A, %reduce_sum3A [1] : vector<64x2xf32> to vector<64xf32>
      %broadcast_in_dim3A_90 = vector.shape_cast %reduce_sum3A_89 : vector<64xf32> to vector<64x1xf32>
      %div3A_91 = vector.broadcast %broadcast_in_dim3A_90 : vector<64x1xf32> to vector<64x2xf32>
      %div3A_92 = arith.divf %exp3A, %div3A_91 : vector<64x2xf32>
      %swap3A_93 = arith.constant 0 : index
      %swap3A_94 = arith.constant 0 : index
      %swap3A_95 = vector.load %arg10[%swap3A_93, %swap3A_94] : memref<64x2xf32, #tpu.memory_space<vmem>>, vector<64x2xf32>
      tpu.vector_store %arg10[%swap3A_93, %swap3A_94], %div3A_92 {strides = array<i32>} : memref<64x2xf32, #tpu.memory_space<vmem>>, vector<64x2xf32>,
    } else {
    }
    return
  }
  func.func @transform_0(%arg0: i32) -> (i32, i32, i32) {
    %c0_i32 = arith.constant 0 : i32
    %c0_i32_0 = arith.constant 0 : i32
    %c0_i32_1 = arith.constant 0 : i32
    return %c0_i32, %arg0, %c0_i32_0 : i32, i32, i32
  }
  func.func @transform_1(%arg0: i32) -> (i32, i32) {
    %c0_i32 = arith.constant 0 : i32
    %c0_i32_0 = arith.constant 0 : i32
    return %arg0, %c0_i32 : i32, i32
  }
  func.func @transform_2(%arg0: i32) -> (i32, i32) {
    %c0_i32 = arith.constant 0 : i32
    %c0_i32_0 = arith.constant 0 : i32
    return %arg0, %c0_i32 : i32, i32
  }
  func.func @transform_3(%arg0: i32) -> (i32, i32) {
    %c0_i32 = arith.constant 0 : i32
    %c0_i32_0 = arith.constant 0 : i32
    return %arg0, %c0_i32 : i32, i32
  }
  func.func @transform_4(%arg0: i32) -> (i32, i32) {
    %c0_i32 = arith.constant 0 : i32
    %c0_i32_0 = arith.constant 0 : i32
    %c0_i32_1 = arith.constant 0 : i32
    return %c0_i32, %c0_i32_0 : i32, i32
  }
  func.func @transform_5(%arg0: i32) -> (i32, i32) {
    %c0_i32 = arith.constant 0 : i32
    %c0_i32_0 = arith.constant 0 : i32
    return %arg0, %c0_i32 : i32, i32
  }
  func.func @transform_6(%arg0: i32) -> (i32, i32) {
    %c0_i32 = arith.constant 0 : i32
    %c0_i32_0 = arith.constant 0 : i32
    %c0_i32_1 = arith.constant 0 : i32
    return %c0_i32, %c0_i32_0 : i32, i32
  }
  func.func @transform_7(%arg0: i32) -> (i32, i32) {
    %c0_i32 = arith.constant 0 : i32
    %c0_i32_0 = arith.constant 0 : i32
    %c0_i32_1 = arith.constant 0 : i32
    return %c0_i32, %c0_i32_0 : i32, i32
  }
  func.func @transform_8(%arg0: i32) -> (i32, i32) {
    %c0_i32 = arith.constant 0 : i32
    %c0_i32_0 = arith.constant 0 : i32
    %c0_i32_1 = arith.constant 0 : i32
    return %c0_i32, %c0_i32_0 : i32, i32
  }
  func.func @transform_9(%arg0: i32) -> (i32, i32) {
    %c0_i32 = arith.constant 0 : i32
    %c0_i32_0 = arith.constant 0 : i32
    %c0_i32_1 = arith.constant 0 : i32
    return %c0_i32, %c0_i32_0 : i32, i32
  }
}

</mosaic_0001>

<sc_bundles>
// kernel: kernel.11.cloned.1.call-start
scs
__scs_entry_jumppad:
0x0: {  	(pc) =	sbr.rel $0x88, $3  }
0x1: {  	(tag) =	ssettag $0x0;
	lr =	simm.s32 $0x1  }
0x2: {  	[smem:$0x3F98] =	sst lr;
	_ =	strace $0xD0000000  }
0x3: {  	_ = 	snop  }
0x4: {  	_ = 	snop  }
0x5: {  	_ = 	snop  }
0x6: {  	_ = 	snop  }
0x7: {  	_ = 	snop  }
__scs_overlays_trampoline_lowered:
0x8: {  	[smem:$0x3FA7] =	sst s0  }
0x9: {  	[smem:$0x3FA8] =	sst s1  }
0xa: {  	[smem:$0x3FA9] =	sst s2  }
0xb: {  	[smem:$0x3FAA] =	sst s3  }
0xc: {  	[smem:$0x3FAB] =	sst s4  }
0xd: {  	[smem:$0x3FAC] =	sst s5  }
0xe: {  	[smem:$0x3FAD] =	sst s6  }
0xf: {  	[smem:$0x3FAE] =	sst s7  }
0x10: {  	[smem:$0x3FAF] =	sst s8  }
0x11: {  	[smem:$0x3FB0] =	sst s9;
	s0 =	simm.s32 @!p0 $0x0  }
0x12: {  	s1 =	sld [smem:$0x3F96];
	s0 =	simm.s32 @p0 $0x1  }
0x13: {  	[smem:$0x3FB1] =	sst s0;
	s0 =	simm.s32 @!p1 $0x0  }
0x14: {  	s2 =	sld [smem:$0x3F95];
	s0 =	simm.s32 @p1 $0x1  }
0x15: {  	[smem:$0x3FB2] =	sst s0;
	s0 =	simm.s32 @!p2 $0x0  }
0x16: {  	s3 =	sld [smem:$0x3FDB];
	s0 =	simm.s32 @p2 $0x1  }
0x17: {  	s4 =	simm.s32 $0x1BF5;
	[smem:$0x3FB4] =	sst s0  }
0x18: {  	s0 =	sld [smem:$0x3F97];
	_ =	swait.ge [sflag:s4], $0x0  }
0x19: {  	s7 =	sld [smem:$0x3F98]  }
0x1a: {  	s8 =	sadd.s32 $0xFFFFE003, lr  }
0x1b: {  	s9 =	sadd.s32 $0xFFFFFEF7, lr;
	s5 =	simm.s32 $0xFFFFFFFF;
	p2 =	slt.u32 s8, $0xFFFFF086  }
0x1c: {  	p1 =	slt.u32 s9, $0xF7A;
	s5 =	simm.s32 @!p2 $0x0  }
0x1d: {  	s5 =	simm.s32 @p1 $0x1;
	p0 =	seq.s32 s7, s2  }
0x1e: {  	s7 =	smul.u32 @!p0 $0xF7A, s2;
	p2 =	seq.s32 @!p0 s5, $0x0  }
0x1f: {  	s9 =	smul.u32 $0xF7A, s1;
	s8 =	simm.s32 @!p0 $0x1BF5;
	p2 =	por !p2, p0  }
0x20: {  	[sflag:s8] =	ssyncset.s32 @!p0 $0xFFFFF086;
	s6 =	sadd.s32 @!p0 s3, s7;
	s7 =	simm.s32 @!p0 $0x108  }
0x21: {  	s3 =	sadd.s32 s3, s9;
	s6 =	sadd.s32 @!p0 $0x88, s6;
	s7 =	simm.s32 @p2 $0x1082  }
0x22: {  	[simem:s7], [sflag:s8] =	dma.local @!p0 [hbm:s6], $0xF7A  }
0x23: {  	s9 =	sor.u32 $0xD0000000, s2;
	s6 =	simm.s32 $0x108;
	_ =	swait.ge @!p0 [sflag:s8], $0x0  }
0x24: {  	s3 =	sadd.s32 $0x88, s3;
	s6 =	simm.s32 @!p1 $0x1082;
	[sflag:s4] =	ssyncset.s32 $0xFFFFF086  }
0x25: {  	[simem:s6], [sflag:s4] =	dma.local [hbm:s3], $0xF7A  }
0x26: {  	[smem:$0x3F98] =	sst s1;
	(tag) =	ssettag s2;
	_ =	strace s9  }
0x27: {  	s1 =	sld [smem:$0x3FA8]  }
0x28: {  	s2 =	sld [smem:$0x3FA9]  }
0x29: {  	s4 =	sld [smem:$0x3FAB]  }
0x2a: {  	p0 =	seq.s32 s5, $0x0;
	s5 =	sld [smem:$0x3FAC]  }
0x2b: {  	s6 =	sld [smem:$0x3FAD]  }
0x2c: {  	s7 =	sld [smem:$0x3FAE]  }
0x2d: {  	s3 =	simm.s32 $0x108;
	s8 =	sld [smem:$0x3FAF]  }
0x2e: {  	s3 =	simm.s32 @!p0 $0x1082;
	s9 =	sld [smem:$0x3FB0]  }
0x2f: {  	lr =	sadd.s32 s0, s3;
	s0 =	sld [smem:$0x3FA7]  }
0x30: {  	s3 =	sld [smem:$0x3FAA]  }
0x31: {  	[smem:$0x3FB3] =	sst s10  }
0x32: {  	s10 =	sld [smem:$0x3FB1];
	_ =	sdelay $0x3  }
0x33: {  	p0 =	seq.s32 s10, $0x1;
	s10 =	sld [smem:$0x3FB3];
	_ =	sdelay $0x3  }
0x34: {  	[smem:$0x3FB3] =	sst s10  }
0x35: {  	s10 =	sld [smem:$0x3FB2];
	_ =	sdelay $0x3  }
0x36: {  	p1 =	seq.s32 s10, $0x1;
	s10 =	sld [smem:$0x3FB3];
	_ =	sdelay $0x3  }
0x37: {  	[smem:$0x3FB3] =	sst s10  }
0x38: {  	s10 =	sld [smem:$0x3FB4]  }
0x39: {  	_ = 	snop;
	(pc) =	sbr.ind lr, $3  }
0x3a: {  	_ = 	snop  }
0x3b: {  	_ = 	snop  }
0x3c: {  	p2 =	seq.s32 s10, $0x1;
	s10 =	sld [smem:$0x3FB3]  }
0x3d: {  	_ =	shalt  }
0x3e: {  	_ =	shalt  }
0x3f: {  	_ =	shalt  }
0x40: {  	_ =	shalt  }
0x41: {  	_ =	shalt  }
0x42: {  	_ =	shalt  }
0x43: {  	_ =	shalt  }
0x44: {  	_ =	shalt  }
0x45: {  	_ =	shalt  }
0x46: {  	_ =	shalt  }
0x47: {  	_ =	shalt  }
0x48: {  	_ =	shalt  }
0x49: {  	_ =	shalt  }
0x4a: {  	_ =	shalt  }
0x4b: {  	_ =	shalt  }
0x4c: {  	_ =	shalt  }
0x4d: {  	_ =	shalt  }
0x4e: {  	_ =	shalt  }
0x4f: {  	_ =	shalt  }
0x50: {  	_ =	shalt  }
0x51: {  	_ =	shalt  }
0x52: {  	_ =	shalt  }
0x53: {  	_ =	shalt  }
0x54: {  	_ =	shalt  }
0x55: {  	_ =	shalt  }
0x56: {  	_ =	shalt  }
0x57: {  	_ =	shalt  }
0x58: {  	_ =	shalt  }
0x59: {  	_ =	shalt  }
0x5a: {  	_ =	shalt  }
0x5b: {  	_ =	shalt  }
0x5c: {  	_ =	shalt  }
0x5d: {  	_ =	shalt  }
0x5e: {  	_ =	shalt  }
0x5f: {  	_ =	shalt  }
0x60: {  	_ =	shalt  }
0x61: {  	_ =	shalt  }
0x62: {  	_ =	shalt  }
0x63: {  	_ =	shalt  }
0x64: {  	_ =	shalt  }
0x65: {  	_ =	shalt  }
0x66: {  	_ =	shalt  }
0x67: {  	_ =	shalt  }
0x68: {  	_ =	shalt  }
0x69: {  	_ =	shalt  }
0x6a: {  	_ =	shalt  }
0x6b: {  	_ =	shalt  }
0x6c: {  	_ =	shalt  }
0x6d: {  	_ =	shalt  }
0x6e: {  	_ =	shalt  }
0x6f: {  	_ =	shalt  }
0x70: {  	_ =	shalt  }
0x71: {  	_ =	shalt  }
0x72: {  	_ =	shalt  }
0x73: {  	_ =	shalt  }
0x74: {  	_ =	shalt  }
0x75: {  	_ =	shalt  }
0x76: {  	_ =	shalt  }
0x77: {  	_ =	shalt  }
0x78: {  	_ =	shalt  }
0x79: {  	_ =	shalt  }
0x7a: {  	_ =	shalt  }
0x7b: {  	_ =	shalt  }
0x7c: {  	_ =	shalt  }
0x7d: {  	_ =	shalt  }
0x7e: {  	_ =	shalt  }
0x7f: {  	_ =	shalt  }
0x80: {  	_ =	shalt  }
0x81: {  	_ =	shalt  }
0x82: {  	_ =	shalt  }
0x83: {  	_ =	shalt  }
0x84: {  	_ =	shalt  }
0x85: {  	_ =	shalt  }
0x86: {  	_ =	shalt  }
0x87: {  	_ =	shalt  }
.Lfunc_end0:
.L_simem_size_0:
called_computation.1_lowered:
.L_overlay_start_0:
0x88: {  	s2 =	sld [smem:$0x3FD9]  }
0x89: {  	s3 =	sld [smem:$0x3FFE];
	_ =	sdelay $0x1  }
0x8a: {  	s1 =	srdreg.scid  }
0x8b: {  	s0 =	sand.u32 $0x1, s1  }
0x8c: {  	s16 =	sshll.u32 s0, $0xA;
	s2 =	sadd.s32 s3, s2  }
0x8d: {  	s2 =	sadd.s32 s2, s16  }
0x8e: {  	[smem:$0x3FBF] =	sst s2  }
0x8f: {  	_ = 	snop  }
0x90: {  	(tm) =	ssettm $0x1  }
0x91: {  	s17 =	sld [smem:$0x3FFB];
	_ =	sdelay $0x3  }
0x92: {  	_ =	strace s17  }
0x93: {  	s2 =	sld [smem:$0x3FFC];
	_ =	sdelay $0x3  }
0x94: {  	_ =	strace s2  }
0x95: {  	s2 =	sld [smem:$0x3FFD];
	_ =	sdelay $0x3  }
0x96: {  	_ =	strace s2  }
0x97: {  	_ =	strace $0x8FFFFFFF  }
0x98: {  	s18 =	sld [smem:$0x3FDB];
	_ =	sdelay $0x1  }
0x99: {  	s19 =	simm.s32 $_scs_section_size  }
0x9a: {  	s4 =	simm.s32 $_size__tile_overlayer_lowered;
	s5 =	simm.s32 $_tile_overlayer_lowered  }
0x9b: {  	s22 =	simm.s32 $0x1BFF;
	s21 =	sshll.u32 s5, $0x1;
	s2 =	sadd.s32 s19, s18  }
0x9c: {  	s6 =	simm.s32 $0x0;
	s20 =	sshll.u32 s4, $0x1;
	s4 =	sadd.s32 s21, s2  }
0x9d: {  	[timem:s6], [sflag:s22] =	dma.local [hbm:s4], s20  }
0x9e: {  	_ =	swait.ge [sflag:s22], s20  }
0x9f: {  	s3 =	ssub.s32 $0x0, s20;
	[sflag:s22] =	ssyncset.done $0x0  }
0xa0: {  	[sflag:s22] =	ssyncadd.s32 s3;
	_ =	sdelay $0x1  }
0xa1: {  	s23 =	simm.s32 $0x1B8B  }
0xa2: {  	_ =	swait.ge [sflag:s23], $0x1  }
0xa3: {  	[sflag:s23] =	ssyncset.done $0x0  }
0xa4: {  	s25 =	simm.s32 $0x1B8E;
	s24 =	sld [smem:$0x3FFE];
	[sflag:s23] =	ssyncadd.s32 $0xFFFFFFFF  }
0xa5: {  	s26 =	simm.s32 $execute0_lowered;
	[smem:$0x3FD2] =	sst s25  }
0xa6: {  	s4 =	sshll.u32 s26, $0x1;
	_ =	strace $0x80000049;
	[dreg:$0x1] =	wrdreg $0xFFFFFFFF  }
0xa7: {  	s28 =	simm.s32 $_size_execute0_lowered;
	s2 =	sadd.s32 s2, s4;
	[dreg:$0x0] =	wrdreg $0x0  }
0xa8: {  	s4 =	sshll.u32 s28, $0x1;
	[dreg:$0x2] =	wrdreg s2  }
0xa9: {  	[dreg:$0x3] =	wrdreg s4  }
0xaa: {  	[dreg:$0x4] =	wrdreg $0xC0  }
0xab: {  	_ =	task [dreg:s6], $0x5FFFF  }
0xac: {  	[dreg:$0x1] =	wrdreg $0xFFFFFFFF  }
0xad: {  	[dreg:$0x0] =	wrdreg $0x60  }
0xae: {  	[dreg:$0x2] =	wrdreg s24  }
0xaf: {  	[dreg:$0x3] =	wrdreg $0xB7800  }
0xb0: {  	[dreg:$0x4] =	wrdreg $0x9  }
0xb1: {  	_ =	task.clear_ibuf [dreg:s6], $0x5FFFF;
	_ =	strace $0x90000049  }
0xb2: {  	s29 =	simm.s32 $0x9;
	_ =	strace $0x8000004B  }
0xb3: {  	_ =	swait.ge [sflag:s29], $0x1  }
0xb4: {  	[sflag:s29] =	ssyncadd.s32 $0xFFFFFFFF  }
0xb5: {  	_ =	strace $0x9000004B  }
0xb6: {  	_ =	sfence  }
0xb7: {  	s30 =	sld [smem:$0x0];
	_ =	sdelay $0x2  }
0xb8: {  	s31 =	sshll.u32 s1, $0xD;
	s1 =	sshrl.u32 s1, $0x2  }
0xb9: {  	s3 =	sand.u32 $0x4000, s31;
	s1 =	sadd.s32 s1, s30  }
0xba: {  	s0 =	sor.u32 s3, s0;
	s1 =	sshll.u32 s1, $0x11  }
0xbb: {  	s0 =	sor.u32 s1, s0  }
0xbc: {  	s0 =	sadd.s32 $0x8F2B, s0  }
0xbd: {  	[sflag:s0] =	ssyncadd.remote.s32 $0x1  }
0xbe: {  	_ =	sfence.sel $0xFFFF  }
0xbf: {  	[dreg:$0x0] =	wrdreg $0xFFFFFFFF;
	(pc) =	sbr.abs _section_cstart, $3  }
0xc0: {  	[dreg:$0x1] =	wrdreg $0xFFFFFFFF  }
0xc1: {  	_ =	task.clear_ibuf [dreg:s6], $0x2FFFF;
	_ =	strace $0x9FFFFFFF  }
0xc2: {  	(tm) =	ssettm $0x7FFFFFFF  }
0xc3: {  	_ =	shalt  }
tec
execute0_lowered:
.L_overlay_start_1:
0x0: {  	(tag) =	ssettag $0x1  }
0x1: {  	s1 =	srdreg.scid  }
0x2: {  	s0 =	stileid.u32;
	s6 =	rddreg [dreg:$0x0]  }
0x3: {  	s2 =	rddreg [dreg:$0x1];
	s3 =	simm.s32 $0x0;
	s17 =	simm.s32 $0x80  }
0x4: {  	s18 =	simm.s32 $0x400;
	s19 =	simm.s32 $0x2780;
	s20 =	simm.s32 $0x8F80  }
0x5: {  	s21 =	simm.s32 $0x2;
	s22 =	simm.s32 $0x1;
	s23 =	simm.s32 $0x50  }
0x6: {  	s24 =	simm.s32 $0x6780;
	s28 =	simm.s32 $0x0;
	s10 =	smul.u32 $0x14000, s0  }
0x7: {  	s5 =	sand.u32 $0x1, s1;
	s26 =	sshrl.u32 s0, $0x2;
	s30 =	smul.u32 $0x50000, s0  }
0x8: {  	s25 =	sshll.u32 s0, $0x1;
	[smem:$0x7FF] =	sst s3;
	s4 =	smul.u32 $0x13C00, s26  }
0x9: {  	s7 =	sor.u32 s5, s25;
	s29 =	smul.u32 $0x140000, s5;
	_ =	strace $0x8000004A  }
0xa: {  	s5 =	ssub.s32 $0x2, s5;
	s25 =	sshll.u32 s0, $0x6;
	s26 =	simm.s32 $0x6580  }
0xb: {  	s8 =	sshll.u32 s7, $0x7;
	s7 =	sshll.u32 s7, $0xB;
	s11 =	sshrl.u32 s5, $0x1  }
0xc: {  	s31 =	sshrl.u32 s30, $0x2;
	s25 =	sor.u32 $0x1C02, s25;
	s8 =	sand.u32 $0x380, s8  }
0xd: {  	s7 =	sadd.s32 s7, s6;
	s16 =	ssub.s32 s5, s11;
	s4 =	sor.u32 s4, s8  }
0xe: {  	s8 =	sadd.s32 s10, s29;
	s16 =	smax.u32 s16, $0x1;
	s9 =	sshrl.u32 s4, $0x3  }
0xf: {  	s4 =	sadd.s32 $0x1CE00, s6;
	s8 =	sshrl.u32 s8, $0x3;
	s9 =	sadd.s32 s9, s6  }
0x10: {  	s15 =	sadd.s32 s8, s6;
	s6 =	sadd.s32 $0x2600, s7;
	s7 =	sadd.s32 s31, s2  }
0x11: {  	s5 =	sadd.s32 $0x13000, s9;
	s8 =	sadd.s32 $0x2800, s7;
	s9 =	sadd.s32 $0x5000, s7  }
0x12: {  	s10 =	sadd.s32 $0x7800, s7;
	s11 =	sadd.s32 $0xA000, s7;
	s12 =	sadd.s32 $0xC800, s7  }
0x13: {  	v0 =	vimm.f32 $0.0e+00;
	s13 =	sadd.s32 $0xF000, s7;
	s14 =	sadd.s32 $0x11800, s7;
	s15 =	sadd.s32 $0x44000, s15  }
.LBB2_1:
0x14: {  	[tilespmem:s3], [sflag:$0x1] =	stream.strided.gather [hbm4b:s5+s17], $0x2780, s18, s17, $0x38;
	[tilespmem:$0x1F780] =	vst v63  }
0x15: {  	s29 =	simm.s32 $0x0;
	s30 =	simm.s32 $0x200  }
0x16: {  	[tilespmem:s19], [sflag:$0x1] =	stream.linear.gather [hbm4b:s6+s3], $0x3E80, $0x38;
	[tilespmem:$0x1F780] =	vst v63  }
.LBB2_2:
0x17: {  	p0 =	sne.s32 s30, $0x9E00;
	[tilespmem:s29+$0x8FF0] =	vst v0  }
0x18: {  	[tilespmem:s29+$0x8F80] =	vst v0  }
0x19: {  	[tilespmem:s29+$0x8F90] =	vst v0  }
.Ltmp0:
0x1a: {  	[tilespmem:s29+$0x8FA0] =	vst v0;
	(pc) =	sbr.rel @p0 .LBB2_2-.Ltmp0, $4  }
0x1b: {  	[tilespmem:s29+$0x8FB0] =	vst v0  }
0x1c: {  	[tilespmem:s29+$0x8FC0] =	vst v0  }
0x1d: {  	[tilespmem:s29+$0x8FD0] =	vst v0  }
0x1e: {  	[tilespmem:s29+$0x8FE0] =	vst v0;
	s29 =	sshra.s32 s30, $0x2;
	s30 =	sadd.s32 $0x200, s30  }
0x1f: {  	[tilespmem:s29+$0x8FF0] =	vst v0  }
0x20: {  	[tilespmem:s29+$0x8F80] =	vst v0  }
0x21: {  	[tilespmem:s29+$0x8F90] =	vst v0  }
0x22: {  	[tilespmem:s29+$0x8FA0] =	vst v0  }
0x23: {  	[tilespmem:s29+$0x8FB0] =	vst v0  }
0x24: {  	[tilespmem:s29+$0x8FC0] =	vst v0  }
0x25: {  	[tilespmem:s29+$0x8FD0] =	vst v0  }
0x26: {  	[tilespmem:s29+$0x8FE0] =	vst v0  }
0x27: {  	[spmem:s7] =	stream.linear.scatter [tilespmem:s20], [sflag:$0x2], $0x2800, $0x38;
	[tilespmem:$0x1F780] =	vst v63  }
0x28: {  	_ =	swait.ge [sflag:s21], $0x2800  }
0x29: {  	[sflag:s21] =	ssyncset.done $0x0  }
0x2a: {  	[sflag:s21] =	ssyncadd.s32 $0xFFFFD800  }
0x2b: {  	[spmem:s8] =	stream.linear.scatter [tilespmem:s20], [sflag:$0x2], $0x2800, $0x38;
	[tilespmem:$0x1F780] =	vst v63  }
0x2c: {  	_ =	swait.ge [sflag:s21], $0x2800  }
0x2d: {  	[sflag:s21] =	ssyncset.done $0x0  }
0x2e: {  	[sflag:s21] =	ssyncadd.s32 $0xFFFFD800  }
0x2f: {  	[spmem:s9] =	stream.linear.scatter [tilespmem:s20], [sflag:$0x2], $0x2800, $0x38;
	[tilespmem:$0x1F780] =	vst v63  }
0x30: {  	_ =	swait.ge [sflag:s21], $0x2800  }
0x31: {  	[sflag:s21] =	ssyncset.done $0x0  }
0x32: {  	[sflag:s21] =	ssyncadd.s32 $0xFFFFD800  }
0x33: {  	[spmem:s10] =	stream.linear.scatter [tilespmem:s20], [sflag:$0x2], $0x2800, $0x38;
	[tilespmem:$0x1F780] =	vst v63  }
0x34: {  	_ =	swait.ge [sflag:s21], $0x2800  }
0x35: {  	[sflag:s21] =	ssyncset.done $0x0  }
0x36: {  	[sflag:s21] =	ssyncadd.s32 $0xFFFFD800  }
0x37: {  	[spmem:s11] =	stream.linear.scatter [tilespmem:s20], [sflag:$0x2], $0x2800, $0x38;
	[tilespmem:$0x1F780] =	vst v63  }
0x38: {  	_ =	swait.ge [sflag:s21], $0x2800  }
0x39: {  	[sflag:s21] =	ssyncset.done $0x0  }
0x3a: {  	[sflag:s21] =	ssyncadd.s32 $0xFFFFD800  }
0x3b: {  	[spmem:s12] =	stream.linear.scatter [tilespmem:s20], [sflag:$0x2], $0x2800, $0x38;
	[tilespmem:$0x1F780] =	vst v63  }
0x3c: {  	_ =	swait.ge [sflag:s21], $0x2800  }
0x3d: {  	[sflag:s21] =	ssyncset.done $0x0  }
0x3e: {  	[sflag:s21] =	ssyncadd.s32 $0xFFFFD800  }
0x3f: {  	[spmem:s13] =	stream.linear.scatter [tilespmem:s20], [sflag:$0x2], $0x2800, $0x38;
	[tilespmem:$0x1F780] =	vst v63  }
0x40: {  	_ =	swait.ge [sflag:s21], $0x2800  }
0x41: {  	[sflag:s21] =	ssyncset.done $0x0  }
0x42: {  	[sflag:s21] =	ssyncadd.s32 $0xFFFFD800  }
0x43: {  	[spmem:s14] =	stream.linear.scatter [tilespmem:s20], [sflag:$0x2], $0x2800, $0x38;
	[tilespmem:$0x1F780] =	vst v63  }
0x44: {  	_ =	swait.ge [sflag:s21], $0x2800  }
0x45: {  	[sflag:s21] =	ssyncset.done $0x0  }
0x46: {  	[sflag:s21] =	ssyncadd.s32 $0xFFFFD800  }
0x47: {  	_ =	swait.ge [sflag:s22], $0x2780  }
0x48: {  	[sflag:s22] =	ssyncset.done $0x0  }
0x49: {  	[sflag:s22] =	ssyncadd.s32 $0xFFFFD880  }
0x4a: {  	_ =	swait.ge [sflag:s22], $0x3E80  }
0x4b: {  	[sflag:s22] =	ssyncset.done $0x0  }
0x4c: {  	[sflag:s22] =	ssyncadd.s32 $0xFFFFC180  }
0x4d: {  	s29 =	simm.s32 $0x0;
	[bflag:$0x0] =	sbarrier.arrive $0xFFFF  }
0x4e: {  	[tilespmem:s24], [sflag:$0x1] =	stream.indirect.gather [hbm4b:s4+s23], $0x80, s29, s23, $0xb8;
	[tilespmem:$0x1F780] =	vst v63  }
0x4f: {  	s29 =	simm.s32 $0x50  }
0x50: {  	[tilespmem:s20], [sflag:$0x1] =	stream.indirect.gather [hbm4b:s4+s23], $0x80, s29, s23, $0xb8;
	[tilespmem:$0x1F780] =	vst v63  }
0x51: {  	_ =	swait.ge [sflag:s22], $0x2800  }
0x52: {  	[sflag:s22] =	ssyncset.done $0x0  }
0x53: {  	s29 =	simm.s32 $0x2780;
	[sflag:s22] =	ssyncadd.s32 $0xFFFFD800  }
0x54: {  	[spmem:s2] =	stream.indirect.scatter.add.f32 [tilespmem:s24], [sflag:$0x2], $0x80, s29, s23, $0xb8;
	[tilespmem:$0x1F780] =	vst v63  }
0x55: {  	_ =	swait.ge [sflag:s21], $0x2800  }
0x56: {  	[sflag:s21] =	ssyncset.done $0x0  }
0x57: {  	s29 =	simm.s32 $0xA0;
	[sflag:s21] =	ssyncadd.s32 $0xFFFFD800  }
0x58: {  	[tilespmem:s24], [sflag:$0x1] =	stream.indirect.gather [hbm4b:s4+s23], $0x80, s29, s23, $0xb8;
	[tilespmem:$0x1F780] =	vst v63  }
0x59: {  	_ =	swait.ge [sflag:s22], $0x2800  }
0x5a: {  	[sflag:s22] =	ssyncset.done $0x0  }
0x5b: {  	s29 =	simm.s32 $0x2800;
	[sflag:s22] =	ssyncadd.s32 $0xFFFFD800  }
0x5c: {  	[spmem:s2] =	stream.indirect.scatter.add.f32 [tilespmem:s20], [sflag:$0x2], $0x80, s29, s23, $0xb8;
	[tilespmem:$0x1F780] =	vst v63  }
0x5d: {  	s30 =	simm.s32 $0x400;
	_ =	swait.ge [sflag:s21], $0x2800  }
0x5e: {  	s31 =	simm.s32 $0x800;
	s29 =	simm.s32 $0x140;
	[sflag:s21] =	ssyncset.done $0x0  }
.LBB2_4:
0x5f: {  	p0 =	sne.s32 s31, $0xF400;
	s1 =	sadd.s32 $0xFFFFFFB0, s29;
	[sflag:s21] =	ssyncadd.s32 $0xFFFFD800  }
0x60: {  	[tilespmem:s20], [sflag:$0x1] =	stream.indirect.gather [hbm4b:s4+s23], $0x80, s1, s23, $0xb8;
	[tilespmem:$0x1F780] =	vst v63  }
0x61: {  	s1 =	smov.u32 s31;
	s31 =	sadd.s32 $0x400, s31;
	_ =	swait.ge [sflag:s22], $0x2800  }
0x62: {  	s0 =	sshra.s32 s30, $0x2;
	s30 =	smov.u32 s1;
	[sflag:s22] =	ssyncset.done $0x0  }
0x63: {  	s1 =	sadd.s32 $0x2780, s0;
	[sflag:s22] =	ssyncadd.s32 $0xFFFFD800  }
0x64: {  	[spmem:s2] =	stream.indirect.scatter.add.f32 [tilespmem:s24], [sflag:$0x2], $0x80, s1, s23, $0xb8;
	[tilespmem:$0x1F780] =	vst v63  }
0x65: {  	_ =	swait.ge [sflag:s21], $0x2800  }
0x66: {  	[sflag:s21] =	ssyncset.done $0x0  }
0x67: {  	[sflag:s21] =	ssyncadd.s32 $0xFFFFD800  }
0x68: {  	[tilespmem:s24], [sflag:$0x1] =	stream.indirect.gather [hbm4b:s4+s23], $0x80, s29, s23, $0xb8;
	[tilespmem:$0x1F780] =	vst v63  }
0x69: {  	_ =	swait.ge [sflag:s22], $0x2800  }
.Ltmp1:
0x6a: {  	[sflag:s22] =	ssyncset.done $0x0;
	(pc) =	sbr.rel @p0 .LBB2_4-.Ltmp1, $4  }
0x6b: {  	s0 =	sadd.s32 $0x2800, s0;
	[sflag:s22] =	ssyncadd.s32 $0xFFFFD800  }
0x6c: {  	[spmem:s2] =	stream.indirect.scatter.add.f32 [tilespmem:s20], [sflag:$0x2], $0x80, s0, s23, $0xb8;
	[tilespmem:$0x1F780] =	vst v63  }
0x6d: {  	_ =	swait.ge [sflag:s21], $0x2800  }
0x6e: {  	s29 =	sadd.s32 $0xA0, s29;
	[sflag:s21] =	ssyncset.done $0x0  }
0x6f: {  	s0 =	sadd.s32 $0xFFFFFFB0, s29;
	[sflag:s21] =	ssyncadd.s32 $0xFFFFD800  }
0x70: {  	[tilespmem:s20], [sflag:$0x1] =	stream.indirect.gather [hbm4b:s4+s23], $0x80, s0, s23, $0xb8;
	[tilespmem:$0x1F780] =	vst v63  }
0x71: {  	_ =	swait.ge [sflag:s22], $0x2800  }
0x72: {  	s30 =	sshra.s32 s30, $0x2;
	[sflag:s22] =	ssyncset.done $0x0  }
0x73: {  	s1 =	sadd.s32 $0x2780, s30;
	[sflag:s22] =	ssyncadd.s32 $0xFFFFD800  }
0x74: {  	[spmem:s2] =	stream.indirect.scatter.add.f32 [tilespmem:s24], [sflag:$0x2], $0x80, s1, s23, $0xb8;
	[tilespmem:$0x1F780] =	vst v63  }
0x75: {  	_ =	swait.ge [sflag:s21], $0x2800  }
0x76: {  	[sflag:s21] =	ssyncset.done $0x0  }
0x77: {  	[sflag:s21] =	ssyncadd.s32 $0xFFFFD800  }
0x78: {  	[tilespmem:s24], [sflag:$0x1] =	stream.indirect.gather [hbm4b:s4+s23], $0x80, s29, s23, $0xb8;
	[tilespmem:$0x1F780] =	vst v63  }
0x79: {  	_ =	swait.ge [sflag:s22], $0x2800  }
0x7a: {  	[sflag:s22] =	ssyncset.done $0x0  }
0x7b: {  	s0 =	sadd.s32 $0x2800, s30;
	[sflag:s22] =	ssyncadd.s32 $0xFFFFD800  }
0x7c: {  	[spmem:s2] =	stream.indirect.scatter.add.f32 [tilespmem:s20], [sflag:$0x2], $0x80, s0, s23, $0xb8;
	[tilespmem:$0x1F780] =	vst v63  }
0x7d: {  	_ =	swait.ge [sflag:s21], $0x2800  }
0x7e: {  	[sflag:s21] =	ssyncset.done $0x0  }
0x7f: {  	[sflag:s21] =	ssyncadd.s32 $0xFFFFD800  }
0x80: {  	_ =	swait.ge [sflag:s22], $0x2800  }
0x81: {  	[sflag:s22] =	ssyncset.done $0x0  }
0x82: {  	[sflag:s22] =	ssyncadd.s32 $0xFFFFD800  }
0x83: {  	[spmem:s2] =	stream.indirect.scatter.add.f32 [tilespmem:s24], [sflag:$0x2], $0x80, s26, s23, $0xb8;
	[tilespmem:$0x1F780] =	vst v63  }
0x84: {  	_ =	swait.ge [sflag:s21], $0x2800  }
0x85: {  	s28 =	sadd.s32 $0x1, s28;
	[sflag:s21] =	ssyncset.done $0x0  }
0x86: {  	p0 =	sne.s32 s28, s16;
	[sflag:s21] =	ssyncadd.s32 $0xFFFFD800  }
.Ltmp2:
0x87: {  	s31 =	sshrl.u32 s7, $0x3;
	[bflag:$0x0] =	sbarrier.arrive $0xFFFF;
	(pc) =	sbr.rel @p0 .LBB2_1-.Ltmp2, $4  }
0x88: {  	[hbm:s15], [sflag:s25] =	dma.local [spmem:s31], $0x2800  }
0x89: {  	_ =	swait.ge [sflag:s21], $0x2800  }
0x8a: {  	[sflag:s21] =	ssyncset.done $0x0  }
0x8b: {  	[sflag:s21] =	ssyncadd.s32 $0xFFFFD800  }
0x8c: {  	_ =	sfence.sel $0x180000  }
0x8d: {  	[bflag:$0x0] =	sbarrier.arrive $0xFFFF  }
0x8e: {  	_ =	strace $0x9000004A  }
0x8f: {  	s0 =	stileid.u32;
	[bflag:$0x2] =	sbarrier.arrive $0xFFFF  }
0x90: {  	p0 =	sne.s32 s0, $0x0;
	s0 =	rddreg [dreg:$0x2]  }
0x91: {  	s0 =	sadd.s32 @!p0 $0x100000, s0  }
0x92: {  	[sflag:s0] =	ssyncadd.tile.s32 @!p0 $0x1;
	_ =	shalt  }
.Lfunc_end2:
_tile_overlayer_lowered:
.L_overlay_start_2:
0x93: {  	(tag) =	ssettag $0x2  }
0x94: {  	s0 =	rddreg [dreg:$0x0];
	s2 =	stileid.u32  }
0x95: {  	s1 =	rddreg [dreg:$0x1];
	p0 =	sne.s32 s2, $0x0  }
0x96: {  	s3 =	rddreg [dreg:$0x2];
	[bflag:$0x3] =	sbarrier.arrive $0xFFFF;
	s2 =	simm.s32 @!p0 $0x1C02  }
0x97: {  	[timem:s3], [sflag:s2] =	dma.local @!p0 [hbm:s0], s1  }
0x98: {  	s0 =	simm.s32 @!p0 $0x2  }
0x99: {  	_ =	swait.ge @!p0 [sflag:s0], s1  }
0x9a: {  	s1 =	ssub.s32 @!p0 $0x0, s1;
	[sflag:s0] =	ssyncset.done @!p0 $0x0  }
0x9b: {  	[sflag:s0] =	ssyncadd.s32 @!p0 s1  }
0x9c: {  	[bflag:$0x3] =	sbarrier.arrive $0xFFFF  }
0x9d: {  	_ =	shalt  }

// kernel: kernel.14.cloned.1.call-start
scs
__scs_entry_jumppad:
0x0: {  	(pc) =	sbr.rel $0x88, $3  }
0x1: {  	(tag) =	ssettag $0x0;
	lr =	simm.s32 $0x1  }
0x2: {  	[smem:$0x3F98] =	sst lr;
	_ =	strace $0xD0000000  }
0x3: {  	_ = 	snop  }
0x4: {  	_ = 	snop  }
0x5: {  	_ = 	snop  }
0x6: {  	_ = 	snop  }
0x7: {  	_ = 	snop  }
__scs_overlays_trampoline_lowered:
0x8: {  	[smem:$0x3FA7] =	sst s0  }
0x9: {  	[smem:$0x3FA8] =	sst s1  }
0xa: {  	[smem:$0x3FA9] =	sst s2  }
0xb: {  	[smem:$0x3FAA] =	sst s3  }
0xc: {  	[smem:$0x3FAB] =	sst s4  }
0xd: {  	[smem:$0x3FAC] =	sst s5  }
0xe: {  	[smem:$0x3FAD] =	sst s6  }
0xf: {  	[smem:$0x3FAE] =	sst s7  }
0x10: {  	[smem:$0x3FAF] =	sst s8  }
0x11: {  	[smem:$0x3FB0] =	sst s9;
	s0 =	simm.s32 @!p0 $0x0  }
0x12: {  	s1 =	sld [smem:$0x3F96];
	s0 =	simm.s32 @p0 $0x1  }
0x13: {  	[smem:$0x3FB1] =	sst s0;
	s0 =	simm.s32 @!p1 $0x0  }
0x14: {  	s2 =	sld [smem:$0x3F95];
	s0 =	simm.s32 @p1 $0x1  }
0x15: {  	[smem:$0x3FB2] =	sst s0;
	s0 =	simm.s32 @!p2 $0x0  }
0x16: {  	s3 =	sld [smem:$0x3FDB];
	s0 =	simm.s32 @p2 $0x1  }
0x17: {  	s4 =	simm.s32 $0x1BF5;
	[smem:$0x3FB4] =	sst s0  }
0x18: {  	s0 =	sld [smem:$0x3F97];
	_ =	swait.ge [sflag:s4], $0x0  }
0x19: {  	s7 =	sld [smem:$0x3F98]  }
0x1a: {  	s8 =	sadd.s32 $0xFFFFE003, lr  }
0x1b: {  	s9 =	sadd.s32 $0xFFFFFEF7, lr;
	s5 =	simm.s32 $0xFFFFFFFF;
	p2 =	slt.u32 s8, $0xFFFFF086  }
0x1c: {  	p1 =	slt.u32 s9, $0xF7A;
	s5 =	simm.s32 @!p2 $0x0  }
0x1d: {  	s5 =	simm.s32 @p1 $0x1;
	p0 =	seq.s32 s7, s2  }
0x1e: {  	s7 =	smul.u32 @!p0 $0xF7A, s2;
	p2 =	seq.s32 @!p0 s5, $0x0  }
0x1f: {  	s9 =	smul.u32 $0xF7A, s1;
	s8 =	simm.s32 @!p0 $0x1BF5;
	p2 =	por !p2, p0  }
0x20: {  	[sflag:s8] =	ssyncset.s32 @!p0 $0xFFFFF086;
	s6 =	sadd.s32 @!p0 s3, s7;
	s7 =	simm.s32 @!p0 $0x108  }
0x21: {  	s3 =	sadd.s32 s3, s9;
	s6 =	sadd.s32 @!p0 $0x88, s6;
	s7 =	simm.s32 @p2 $0x1082  }
0x22: {  	[simem:s7], [sflag:s8] =	dma.local @!p0 [hbm:s6], $0xF7A  }
0x23: {  	s9 =	sor.u32 $0xD0000000, s2;
	s6 =	simm.s32 $0x108;
	_ =	swait.ge @!p0 [sflag:s8], $0x0  }
0x24: {  	s3 =	sadd.s32 $0x88, s3;
	s6 =	simm.s32 @!p1 $0x1082;
	[sflag:s4] =	ssyncset.s32 $0xFFFFF086  }
0x25: {  	[simem:s6], [sflag:s4] =	dma.local [hbm:s3], $0xF7A  }
0x26: {  	[smem:$0x3F98] =	sst s1;
	(tag) =	ssettag s2;
	_ =	strace s9  }
0x27: {  	s1 =	sld [smem:$0x3FA8]  }
0x28: {  	s2 =	sld [smem:$0x3FA9]  }
0x29: {  	s4 =	sld [smem:$0x3FAB]  }
0x2a: {  	p0 =	seq.s32 s5, $0x0;
	s5 =	sld [smem:$0x3FAC]  }
0x2b: {  	s6 =	sld [smem:$0x3FAD]  }
0x2c: {  	s7 =	sld [smem:$0x3FAE]  }
0x2d: {  	s3 =	simm.s32 $0x108;
	s8 =	sld [smem:$0x3FAF]  }
0x2e: {  	s3 =	simm.s32 @!p0 $0x1082;
	s9 =	sld [smem:$0x3FB0]  }
0x2f: {  	lr =	sadd.s32 s0, s3;
	s0 =	sld [smem:$0x3FA7]  }
0x30: {  	s3 =	sld [smem:$0x3FAA]  }
0x31: {  	[smem:$0x3FB3] =	sst s10  }
0x32: {  	s10 =	sld [smem:$0x3FB1];
	_ =	sdelay $0x3  }
0x33: {  	p0 =	seq.s32 s10, $0x1;
	s10 =	sld [smem:$0x3FB3];
	_ =	sdelay $0x3  }
0x34: {  	[smem:$0x3FB3] =	sst s10  }
0x35: {  	s10 =	sld [smem:$0x3FB2];
	_ =	sdelay $0x3  }
0x36: {  	p1 =	seq.s32 s10, $0x1;
	s10 =	sld [smem:$0x3FB3];
	_ =	sdelay $0x3  }
0x37: {  	[smem:$0x3FB3] =	sst s10  }
0x38: {  	s10 =	sld [smem:$0x3FB4]  }
0x39: {  	_ = 	snop;
	(pc) =	sbr.ind lr, $3  }
0x3a: {  	_ = 	snop  }
0x3b: {  	_ = 	snop  }
0x3c: {  	p2 =	seq.s32 s10, $0x1;
	s10 =	sld [smem:$0x3FB3]  }
0x3d: {  	_ =	shalt  }
0x3e: {  	_ =	shalt  }
0x3f: {  	_ =	shalt  }
0x40: {  	_ =	shalt  }
0x41: {  	_ =	shalt  }
0x42: {  	_ =	shalt  }
0x43: {  	_ =	shalt  }
0x44: {  	_ =	shalt  }
0x45: {  	_ =	shalt  }
0x46: {  	_ =	shalt  }
0x47: {  	_ =	shalt  }
0x48: {  	_ =	shalt  }
0x49: {  	_ =	shalt  }
0x4a: {  	_ =	shalt  }
0x4b: {  	_ =	shalt  }
0x4c: {  	_ =	shalt  }
0x4d: {  	_ =	shalt  }
0x4e: {  	_ =	shalt  }
0x4f: {  	_ =	shalt  }
0x50: {  	_ =	shalt  }
0x51: {  	_ =	shalt  }
0x52: {  	_ =	shalt  }
0x53: {  	_ =	shalt  }
0x54: {  	_ =	shalt  }
0x55: {  	_ =	shalt  }
0x56: {  	_ =	shalt  }
0x57: {  	_ =	shalt  }
0x58: {  	_ =	shalt  }
0x59: {  	_ =	shalt  }
0x5a: {  	_ =	shalt  }
0x5b: {  	_ =	shalt  }
0x5c: {  	_ =	shalt  }
0x5d: {  	_ =	shalt  }
0x5e: {  	_ =	shalt  }
0x5f: {  	_ =	shalt  }
0x60: {  	_ =	shalt  }
0x61: {  	_ =	shalt  }
0x62: {  	_ =	shalt  }
0x63: {  	_ =	shalt  }
0x64: {  	_ =	shalt  }
0x65: {  	_ =	shalt  }
0x66: {  	_ =	shalt  }
0x67: {  	_ =	shalt  }
0x68: {  	_ =	shalt  }
0x69: {  	_ =	shalt  }
0x6a: {  	_ =	shalt  }
0x6b: {  	_ =	shalt  }
0x6c: {  	_ =	shalt  }
0x6d: {  	_ =	shalt  }
0x6e: {  	_ =	shalt  }
0x6f: {  	_ =	shalt  }
0x70: {  	_ =	shalt  }
0x71: {  	_ =	shalt  }
0x72: {  	_ =	shalt  }
0x73: {  	_ =	shalt  }
0x74: {  	_ =	shalt  }
0x75: {  	_ =	shalt  }
0x76: {  	_ =	shalt  }
0x77: {  	_ =	shalt  }
0x78: {  	_ =	shalt  }
0x79: {  	_ =	shalt  }
0x7a: {  	_ =	shalt  }
0x7b: {  	_ =	shalt  }
0x7c: {  	_ =	shalt  }
0x7d: {  	_ =	shalt  }
0x7e: {  	_ =	shalt  }
0x7f: {  	_ =	shalt  }
0x80: {  	_ =	shalt  }
0x81: {  	_ =	shalt  }
0x82: {  	_ =	shalt  }
0x83: {  	_ =	shalt  }
0x84: {  	_ =	shalt  }
0x85: {  	_ =	shalt  }
0x86: {  	_ =	shalt  }
0x87: {  	_ =	shalt  }
.Lfunc_end0:
.L_simem_size_0:
called_computation.2_lowered:
.L_overlay_start_0:
0x88: {  	s2 =	sld [smem:$0x3FD9]  }
0x89: {  	s3 =	sld [smem:$0x3FFE];
	_ =	sdelay $0x1  }
0x8a: {  	s1 =	srdreg.scid  }
0x8b: {  	s0 =	sand.u32 $0x1, s1  }
0x8c: {  	s16 =	sshll.u32 s0, $0xA;
	s2 =	sadd.s32 s3, s2  }
0x8d: {  	s2 =	sadd.s32 s2, s16  }
0x8e: {  	[smem:$0x3FBF] =	sst s2  }
0x8f: {  	_ = 	snop  }
0x90: {  	(tm) =	ssettm $0x1  }
0x91: {  	s17 =	sld [smem:$0x3FFB];
	_ =	sdelay $0x3  }
0x92: {  	_ =	strace s17  }
0x93: {  	s2 =	sld [smem:$0x3FFC];
	_ =	sdelay $0x3  }
0x94: {  	_ =	strace s2  }
0x95: {  	s2 =	sld [smem:$0x3FFD];
	_ =	sdelay $0x3  }
0x96: {  	_ =	strace s2  }
0x97: {  	_ =	strace $0x8FFFFFFF  }
0x98: {  	s18 =	sld [smem:$0x3FDB];
	_ =	sdelay $0x1  }
0x99: {  	s19 =	simm.s32 $_scs_section_size  }
0x9a: {  	s4 =	simm.s32 $_size__tile_overlayer_lowered;
	s5 =	simm.s32 $_tile_overlayer_lowered  }
0x9b: {  	s22 =	simm.s32 $0x1BFF;
	s21 =	sshll.u32 s5, $0x1;
	s2 =	sadd.s32 s19, s18  }
0x9c: {  	s6 =	simm.s32 $0x0;
	s20 =	sshll.u32 s4, $0x1;
	s4 =	sadd.s32 s21, s2  }
0x9d: {  	[timem:s6], [sflag:s22] =	dma.local [hbm:s4], s20  }
0x9e: {  	_ =	swait.ge [sflag:s22], s20  }
0x9f: {  	s3 =	ssub.s32 $0x0, s20;
	[sflag:s22] =	ssyncset.done $0x0  }
0xa0: {  	[sflag:s22] =	ssyncadd.s32 s3;
	_ =	sdelay $0x1  }
0xa1: {  	s23 =	simm.s32 $0x1B8B  }
0xa2: {  	_ =	swait.ge [sflag:s23], $0x1  }
0xa3: {  	[sflag:s23] =	ssyncset.done $0x0  }
0xa4: {  	s25 =	simm.s32 $0x1B8E;
	s24 =	sld [smem:$0x3FFE];
	[sflag:s23] =	ssyncadd.s32 $0xFFFFFFFF  }
0xa5: {  	s26 =	simm.s32 $execute0_lowered;
	[smem:$0x3FD2] =	sst s25  }
0xa6: {  	s4 =	sshll.u32 s26, $0x1;
	_ =	strace $0x8000004C;
	[dreg:$0x1] =	wrdreg $0xFFFFFFFF  }
0xa7: {  	s28 =	simm.s32 $_size_execute0_lowered;
	s2 =	sadd.s32 s2, s4;
	[dreg:$0x0] =	wrdreg $0x0  }
0xa8: {  	s4 =	sshll.u32 s28, $0x1;
	[dreg:$0x2] =	wrdreg s2  }
0xa9: {  	[dreg:$0x3] =	wrdreg s4  }
0xaa: {  	[dreg:$0x4] =	wrdreg $0xC0  }
0xab: {  	_ =	task [dreg:s6], $0x5FFFF  }
0xac: {  	[dreg:$0x1] =	wrdreg $0xFFFFFFFF  }
0xad: {  	[dreg:$0x0] =	wrdreg $0x60  }
0xae: {  	[dreg:$0x2] =	wrdreg s24  }
0xaf: {  	[dreg:$0x3] =	wrdreg $0xB7800  }
0xb0: {  	[dreg:$0x4] =	wrdreg $0x9  }
0xb1: {  	_ =	task.clear_ibuf [dreg:s6], $0x5FFFF;
	_ =	strace $0x9000004C  }
0xb2: {  	s29 =	simm.s32 $0x9;
	_ =	strace $0x8000004E  }
0xb3: {  	_ =	swait.ge [sflag:s29], $0x1  }
0xb4: {  	[sflag:s29] =	ssyncadd.s32 $0xFFFFFFFF  }
0xb5: {  	_ =	strace $0x9000004E  }
0xb6: {  	_ =	sfence  }
0xb7: {  	s30 =	sld [smem:$0x0];
	_ =	sdelay $0x2  }
0xb8: {  	s31 =	sshll.u32 s1, $0xD;
	s1 =	sshrl.u32 s1, $0x2  }
0xb9: {  	s3 =	sand.u32 $0x4000, s31;
	s1 =	sadd.s32 s1, s30  }
0xba: {  	s0 =	sor.u32 s3, s0;
	s1 =	sshll.u32 s1, $0x11  }
0xbb: {  	s0 =	sor.u32 s1, s0  }
0xbc: {  	s0 =	sadd.s32 $0x8F2B, s0  }
0xbd: {  	[sflag:s0] =	ssyncadd.remote.s32 $0x1  }
0xbe: {  	_ =	sfence.sel $0xFFFF  }
0xbf: {  	[dreg:$0x0] =	wrdreg $0xFFFFFFFF;
	(pc) =	sbr.abs _section_cstart, $3  }
0xc0: {  	[dreg:$0x1] =	wrdreg $0xFFFFFFFF  }
0xc1: {  	_ =	task.clear_ibuf [dreg:s6], $0x2FFFF;
	_ =	strace $0x9FFFFFFF  }
0xc2: {  	(tm) =	ssettm $0x7FFFFFFF  }
0xc3: {  	_ =	shalt  }
tec
execute0_lowered:
.L_overlay_start_1:
0x0: {  	(tag) =	ssettag $0x1  }
0x1: {  	s1 =	srdreg.scid  }
0x2: {  	s0 =	stileid.u32;
	s6 =	rddreg [dreg:$0x0]  }
0x3: {  	s2 =	rddreg [dreg:$0x1];
	s3 =	simm.s32 $0x0;
	s17 =	simm.s32 $0x80  }
0x4: {  	s18 =	simm.s32 $0x400;
	s19 =	simm.s32 $0x2780;
	s20 =	simm.s32 $0x8F80  }
0x5: {  	s21 =	simm.s32 $0x2;
	s22 =	simm.s32 $0x1;
	s23 =	simm.s32 $0x50  }
0x6: {  	s24 =	simm.s32 $0x6780;
	s28 =	simm.s32 $0x0;
	s10 =	smul.u32 $0x14000, s0  }
0x7: {  	s5 =	sand.u32 $0x1, s1;
	s26 =	sshrl.u32 s0, $0x2;
	s30 =	smul.u32 $0x50000, s0  }
0x8: {  	s25 =	sshll.u32 s0, $0x1;
	[smem:$0x7FF] =	sst s3;
	s4 =	smul.u32 $0x13C00, s26  }
0x9: {  	s7 =	sor.u32 s5, s25;
	s29 =	smul.u32 $0x140000, s5;
	_ =	strace $0x8000004D  }
0xa: {  	s5 =	ssub.s32 $0x2, s5;
	s25 =	sshll.u32 s0, $0x6;
	s26 =	simm.s32 $0x6580  }
0xb: {  	s8 =	sshll.u32 s7, $0x7;
	s7 =	sshll.u32 s7, $0xB;
	s11 =	sshrl.u32 s5, $0x1  }
0xc: {  	s31 =	sshrl.u32 s30, $0x2;
	s25 =	sor.u32 $0x1C02, s25;
	s8 =	sand.u32 $0x380, s8  }
0xd: {  	s7 =	sadd.s32 s7, s6;
	s16 =	ssub.s32 s5, s11;
	s4 =	sor.u32 s4, s8  }
0xe: {  	s8 =	sadd.s32 s10, s29;
	s16 =	smax.u32 s16, $0x1;
	s9 =	sshrl.u32 s4, $0x3  }
0xf: {  	s4 =	sadd.s32 $0x1CE00, s6;
	s8 =	sshrl.u32 s8, $0x3;
	s9 =	sadd.s32 s9, s6  }
0x10: {  	s15 =	sadd.s32 s8, s6;
	s6 =	sadd.s32 $0x2600, s7;
	s7 =	sadd.s32 s31, s2  }
0x11: {  	s5 =	sadd.s32 $0x13000, s9;
	s8 =	sadd.s32 $0x2800, s7;
	s9 =	sadd.s32 $0x5000, s7  }
0x12: {  	s10 =	sadd.s32 $0x7800, s7;
	s11 =	sadd.s32 $0xA000, s7;
	s12 =	sadd.s32 $0xC800, s7  }
0x13: {  	v0 =	vimm.f32 $0.0e+00;
	s13 =	sadd.s32 $0xF000, s7;
	s14 =	sadd.s32 $0x11800, s7;
	s15 =	sadd.s32 $0x44000, s15  }
.LBB2_1:
0x14: {  	[tilespmem:s3], [sflag:$0x1] =	stream.strided.gather [hbm4b:s5+s17], $0x2780, s18, s17, $0x38;
	[tilespmem:$0x1F780] =	vst v63  }
0x15: {  	s29 =	simm.s32 $0x0;
	s30 =	simm.s32 $0x200  }
0x16: {  	[tilespmem:s19], [sflag:$0x1] =	stream.linear.gather [hbm4b:s6+s3], $0x3E80, $0x38;
	[tilespmem:$0x1F780] =	vst v63  }
.LBB2_2:
0x17: {  	p0 =	sne.s32 s30, $0x9E00;
	[tilespmem:s29+$0x8FF0] =	vst v0  }
0x18: {  	[tilespmem:s29+$0x8F80] =	vst v0  }
0x19: {  	[tilespmem:s29+$0x8F90] =	vst v0  }
.Ltmp0:
0x1a: {  	[tilespmem:s29+$0x8FA0] =	vst v0;
	(pc) =	sbr.rel @p0 .LBB2_2-.Ltmp0, $4  }
0x1b: {  	[tilespmem:s29+$0x8FB0] =	vst v0  }
0x1c: {  	[tilespmem:s29+$0x8FC0] =	vst v0  }
0x1d: {  	[tilespmem:s29+$0x8FD0] =	vst v0  }
0x1e: {  	[tilespmem:s29+$0x8FE0] =	vst v0;
	s29 =	sshra.s32 s30, $0x2;
	s30 =	sadd.s32 $0x200, s30  }
0x1f: {  	[tilespmem:s29+$0x8FF0] =	vst v0  }
0x20: {  	[tilespmem:s29+$0x8F80] =	vst v0  }
0x21: {  	[tilespmem:s29+$0x8F90] =	vst v0  }
0x22: {  	[tilespmem:s29+$0x8FA0] =	vst v0  }
0x23: {  	[tilespmem:s29+$0x8FB0] =	vst v0  }
0x24: {  	[tilespmem:s29+$0x8FC0] =	vst v0  }
0x25: {  	[tilespmem:s29+$0x8FD0] =	vst v0  }
0x26: {  	[tilespmem:s29+$0x8FE0] =	vst v0  }
0x27: {  	[spmem:s7] =	stream.linear.scatter [tilespmem:s20], [sflag:$0x2], $0x2800, $0x38;
	[tilespmem:$0x1F780] =	vst v63  }
0x28: {  	_ =	swait.ge [sflag:s21], $0x2800  }
0x29: {  	[sflag:s21] =	ssyncset.done $0x0  }
0x2a: {  	[sflag:s21] =	ssyncadd.s32 $0xFFFFD800  }
0x2b: {  	[spmem:s8] =	stream.linear.scatter [tilespmem:s20], [sflag:$0x2], $0x2800, $0x38;
	[tilespmem:$0x1F780] =	vst v63  }
0x2c: {  	_ =	swait.ge [sflag:s21], $0x2800  }
0x2d: {  	[sflag:s21] =	ssyncset.done $0x0  }
0x2e: {  	[sflag:s21] =	ssyncadd.s32 $0xFFFFD800  }
0x2f: {  	[spmem:s9] =	stream.linear.scatter [tilespmem:s20], [sflag:$0x2], $0x2800, $0x38;
	[tilespmem:$0x1F780] =	vst v63  }
0x30: {  	_ =	swait.ge [sflag:s21], $0x2800  }
0x31: {  	[sflag:s21] =	ssyncset.done $0x0  }
0x32: {  	[sflag:s21] =	ssyncadd.s32 $0xFFFFD800  }
0x33: {  	[spmem:s10] =	stream.linear.scatter [tilespmem:s20], [sflag:$0x2], $0x2800, $0x38;
	[tilespmem:$0x1F780] =	vst v63  }
0x34: {  	_ =	swait.ge [sflag:s21], $0x2800  }
0x35: {  	[sflag:s21] =	ssyncset.done $0x0  }
0x36: {  	[sflag:s21] =	ssyncadd.s32 $0xFFFFD800  }
0x37: {  	[spmem:s11] =	stream.linear.scatter [tilespmem:s20], [sflag:$0x2], $0x2800, $0x38;
	[tilespmem:$0x1F780] =	vst v63  }
0x38: {  	_ =	swait.ge [sflag:s21], $0x2800  }
0x39: {  	[sflag:s21] =	ssyncset.done $0x0  }
0x3a: {  	[sflag:s21] =	ssyncadd.s32 $0xFFFFD800  }
0x3b: {  	[spmem:s12] =	stream.linear.scatter [tilespmem:s20], [sflag:$0x2], $0x2800, $0x38;
	[tilespmem:$0x1F780] =	vst v63  }
0x3c: {  	_ =	swait.ge [sflag:s21], $0x2800  }
0x3d: {  	[sflag:s21] =	ssyncset.done $0x0  }
0x3e: {  	[sflag:s21] =	ssyncadd.s32 $0xFFFFD800  }
0x3f: {  	[spmem:s13] =	stream.linear.scatter [tilespmem:s20], [sflag:$0x2], $0x2800, $0x38;
	[tilespmem:$0x1F780] =	vst v63  }
0x40: {  	_ =	swait.ge [sflag:s21], $0x2800  }
0x41: {  	[sflag:s21] =	ssyncset.done $0x0  }
0x42: {  	[sflag:s21] =	ssyncadd.s32 $0xFFFFD800  }
0x43: {  	[spmem:s14] =	stream.linear.scatter [tilespmem:s20], [sflag:$0x2], $0x2800, $0x38;
	[tilespmem:$0x1F780] =	vst v63  }
0x44: {  	_ =	swait.ge [sflag:s21], $0x2800  }
0x45: {  	[sflag:s21] =	ssyncset.done $0x0  }
0x46: {  	[sflag:s21] =	ssyncadd.s32 $0xFFFFD800  }
0x47: {  	_ =	swait.ge [sflag:s22], $0x2780  }
0x48: {  	[sflag:s22] =	ssyncset.done $0x0  }
0x49: {  	[sflag:s22] =	ssyncadd.s32 $0xFFFFD880  }
0x4a: {  	_ =	swait.ge [sflag:s22], $0x3E80  }
0x4b: {  	[sflag:s22] =	ssyncset.done $0x0  }
0x4c: {  	[sflag:s22] =	ssyncadd.s32 $0xFFFFC180  }
0x4d: {  	s29 =	simm.s32 $0x0;
	[bflag:$0x0] =	sbarrier.arrive $0xFFFF  }
0x4e: {  	[tilespmem:s24], [sflag:$0x1] =	stream.indirect.gather [hbm4b:s4+s23], $0x80, s29, s23, $0xb8;
	[tilespmem:$0x1F780] =	vst v63  }
0x4f: {  	s29 =	simm.s32 $0x50  }
0x50: {  	[tilespmem:s20], [sflag:$0x1] =	stream.indirect.gather [hbm4b:s4+s23], $0x80, s29, s23, $0xb8;
	[tilespmem:$0x1F780] =	vst v63  }
0x51: {  	_ =	swait.ge [sflag:s22], $0x2800  }
0x52: {  	[sflag:s22] =	ssyncset.done $0x0  }
0x53: {  	s29 =	simm.s32 $0x2780;
	[sflag:s22] =	ssyncadd.s32 $0xFFFFD800  }
0x54: {  	[spmem:s2] =	stream.indirect.scatter.add.f32 [tilespmem:s24], [sflag:$0x2], $0x80, s29, s23, $0xb8;
	[tilespmem:$0x1F780] =	vst v63  }
0x55: {  	_ =	swait.ge [sflag:s21], $0x2800  }
0x56: {  	[sflag:s21] =	ssyncset.done $0x0  }
0x57: {  	s29 =	simm.s32 $0xA0;
	[sflag:s21] =	ssyncadd.s32 $0xFFFFD800  }
0x58: {  	[tilespmem:s24], [sflag:$0x1] =	stream.indirect.gather [hbm4b:s4+s23], $0x80, s29, s23, $0xb8;
	[tilespmem:$0x1F780] =	vst v63  }
0x59: {  	_ =	swait.ge [sflag:s22], $0x2800  }
0x5a: {  	[sflag:s22] =	ssyncset.done $0x0  }
0x5b: {  	s29 =	simm.s32 $0x2800;
	[sflag:s22] =	ssyncadd.s32 $0xFFFFD800  }
0x5c: {  	[spmem:s2] =	stream.indirect.scatter.add.f32 [tilespmem:s20], [sflag:$0x2], $0x80, s29, s23, $0xb8;
	[tilespmem:$0x1F780] =	vst v63  }
0x5d: {  	s30 =	simm.s32 $0x400;
	_ =	swait.ge [sflag:s21], $0x2800  }
0x5e: {  	s31 =	simm.s32 $0x800;
	s29 =	simm.s32 $0x140;
	[sflag:s21] =	ssyncset.done $0x0  }
.LBB2_4:
0x5f: {  	p0 =	sne.s32 s31, $0xF400;
	s1 =	sadd.s32 $0xFFFFFFB0, s29;
	[sflag:s21] =	ssyncadd.s32 $0xFFFFD800  }
0x60: {  	[tilespmem:s20], [sflag:$0x1] =	stream.indirect.gather [hbm4b:s4+s23], $0x80, s1, s23, $0xb8;
	[tilespmem:$0x1F780] =	vst v63  }
0x61: {  	s1 =	smov.u32 s31;
	s31 =	sadd.s32 $0x400, s31;
	_ =	swait.ge [sflag:s22], $0x2800  }
0x62: {  	s0 =	sshra.s32 s30, $0x2;
	s30 =	smov.u32 s1;
	[sflag:s22] =	ssyncset.done $0x0  }
0x63: {  	s1 =	sadd.s32 $0x2780, s0;
	[sflag:s22] =	ssyncadd.s32 $0xFFFFD800  }
0x64: {  	[spmem:s2] =	stream.indirect.scatter.add.f32 [tilespmem:s24], [sflag:$0x2], $0x80, s1, s23, $0xb8;
	[tilespmem:$0x1F780] =	vst v63  }
0x65: {  	_ =	swait.ge [sflag:s21], $0x2800  }
0x66: {  	[sflag:s21] =	ssyncset.done $0x0  }
0x67: {  	[sflag:s21] =	ssyncadd.s32 $0xFFFFD800  }
0x68: {  	[tilespmem:s24], [sflag:$0x1] =	stream.indirect.gather [hbm4b:s4+s23], $0x80, s29, s23, $0xb8;
	[tilespmem:$0x1F780] =	vst v63  }
0x69: {  	_ =	swait.ge [sflag:s22], $0x2800  }
.Ltmp1:
0x6a: {  	[sflag:s22] =	ssyncset.done $0x0;
	(pc) =	sbr.rel @p0 .LBB2_4-.Ltmp1, $4  }
0x6b: {  	s0 =	sadd.s32 $0x2800, s0;
	[sflag:s22] =	ssyncadd.s32 $0xFFFFD800  }
0x6c: {  	[spmem:s2] =	stream.indirect.scatter.add.f32 [tilespmem:s20], [sflag:$0x2], $0x80, s0, s23, $0xb8;
	[tilespmem:$0x1F780] =	vst v63  }
0x6d: {  	_ =	swait.ge [sflag:s21], $0x2800  }
0x6e: {  	s29 =	sadd.s32 $0xA0, s29;
	[sflag:s21] =	ssyncset.done $0x0  }
0x6f: {  	s0 =	sadd.s32 $0xFFFFFFB0, s29;
	[sflag:s21] =	ssyncadd.s32 $0xFFFFD800  }
0x70: {  	[tilespmem:s20], [sflag:$0x1] =	stream.indirect.gather [hbm4b:s4+s23], $0x80, s0, s23, $0xb8;
	[tilespmem:$0x1F780] =	vst v63  }
0x71: {  	_ =	swait.ge [sflag:s22], $0x2800  }
0x72: {  	s30 =	sshra.s32 s30, $0x2;
	[sflag:s22] =	ssyncset.done $0x0  }
0x73: {  	s1 =	sadd.s32 $0x2780, s30;
	[sflag:s22] =	ssyncadd.s32 $0xFFFFD800  }
0x74: {  	[spmem:s2] =	stream.indirect.scatter.add.f32 [tilespmem:s24], [sflag:$0x2], $0x80, s1, s23, $0xb8;
	[tilespmem:$0x1F780] =	vst v63  }
0x75: {  	_ =	swait.ge [sflag:s21], $0x2800  }
0x76: {  	[sflag:s21] =	ssyncset.done $0x0  }
0x77: {  	[sflag:s21] =	ssyncadd.s32 $0xFFFFD800  }
0x78: {  	[tilespmem:s24], [sflag:$0x1] =	stream.indirect.gather [hbm4b:s4+s23], $0x80, s29, s23, $0xb8;
	[tilespmem:$0x1F780] =	vst v63  }
0x79: {  	_ =	swait.ge [sflag:s22], $0x2800  }
0x7a: {  	[sflag:s22] =	ssyncset.done $0x0  }
0x7b: {  	s0 =	sadd.s32 $0x2800, s30;
	[sflag:s22] =	ssyncadd.s32 $0xFFFFD800  }
0x7c: {  	[spmem:s2] =	stream.indirect.scatter.add.f32 [tilespmem:s20], [sflag:$0x2], $0x80, s0, s23, $0xb8;
	[tilespmem:$0x1F780] =	vst v63  }
0x7d: {  	_ =	swait.ge [sflag:s21], $0x2800  }
0x7e: {  	[sflag:s21] =	ssyncset.done $0x0  }
0x7f: {  	[sflag:s21] =	ssyncadd.s32 $0xFFFFD800  }
0x80: {  	_ =	swait.ge [sflag:s22], $0x2800  }
0x81: {  	[sflag:s22] =	ssyncset.done $0x0  }
0x82: {  	[sflag:s22] =	ssyncadd.s32 $0xFFFFD800  }
0x83: {  	[spmem:s2] =	stream.indirect.scatter.add.f32 [tilespmem:s24], [sflag:$0x2], $0x80, s26, s23, $0xb8;
	[tilespmem:$0x1F780] =	vst v63  }
0x84: {  	_ =	swait.ge [sflag:s21], $0x2800  }
0x85: {  	s28 =	sadd.s32 $0x1, s28;
	[sflag:s21] =	ssyncset.done $0x0  }
0x86: {  	p0 =	sne.s32 s28, s16;
	[sflag:s21] =	ssyncadd.s32 $0xFFFFD800  }
.Ltmp2:
0x87: {  	s31 =	sshrl.u32 s7, $0x3;
	[bflag:$0x0] =	sbarrier.arrive $0xFFFF;
	(pc) =	sbr.rel @p0 .LBB2_1-.Ltmp2, $4  }
0x88: {  	[hbm:s15], [sflag:s25] =	dma.local [spmem:s31], $0x2800  }
0x89: {  	_ =	swait.ge [sflag:s21], $0x2800  }
0x8a: {  	[sflag:s21] =	ssyncset.done $0x0  }
0x8b: {  	[sflag:s21] =	ssyncadd.s32 $0xFFFFD800  }
0x8c: {  	_ =	sfence.sel $0x180000  }
0x8d: {  	[bflag:$0x0] =	sbarrier.arrive $0xFFFF  }
0x8e: {  	_ =	strace $0x9000004D  }
0x8f: {  	s0 =	stileid.u32;
	[bflag:$0x2] =	sbarrier.arrive $0xFFFF  }
0x90: {  	p0 =	sne.s32 s0, $0x0;
	s0 =	rddreg [dreg:$0x2]  }
0x91: {  	s0 =	sadd.s32 @!p0 $0x100000, s0  }
0x92: {  	[sflag:s0] =	ssyncadd.tile.s32 @!p0 $0x1;
	_ =	shalt  }
.Lfunc_end2:
_tile_overlayer_lowered:
.L_overlay_start_2:
0x93: {  	(tag) =	ssettag $0x2  }
0x94: {  	s0 =	rddreg [dreg:$0x0];
	s2 =	stileid.u32  }
0x95: {  	s1 =	rddreg [dreg:$0x1];
	p0 =	sne.s32 s2, $0x0  }
0x96: {  	s3 =	rddreg [dreg:$0x2];
	[bflag:$0x3] =	sbarrier.arrive $0xFFFF;
	s2 =	simm.s32 @!p0 $0x1C02  }
0x97: {  	[timem:s3], [sflag:s2] =	dma.local @!p0 [hbm:s0], s1  }
0x98: {  	s0 =	simm.s32 @!p0 $0x2  }
0x99: {  	_ =	swait.ge @!p0 [sflag:s0], s1  }
0x9a: {  	s1 =	ssub.s32 @!p0 $0x0, s1;
	[sflag:s0] =	ssyncset.done @!p0 $0x0  }
0x9b: {  	[sflag:s0] =	ssyncadd.s32 @!p0 s1  }
0x9c: {  	[bflag:$0x3] =	sbarrier.arrive $0xFFFF  }
0x9d: {  	_ =	shalt  }

// kernel: kernel.8.cloned.1.call-start
scs
__scs_entry_jumppad:
0x0: {  	(pc) =	sbr.rel $0x88, $3  }
0x1: {  	(tag) =	ssettag $0x0;
	lr =	simm.s32 $0x1  }
0x2: {  	[smem:$0x3F98] =	sst lr;
	_ =	strace $0xD0000000  }
0x3: {  	_ = 	snop  }
0x4: {  	_ = 	snop  }
0x5: {  	_ = 	snop  }
0x6: {  	_ = 	snop  }
0x7: {  	_ = 	snop  }
__scs_overlays_trampoline_lowered:
0x8: {  	[smem:$0x3FA7] =	sst s0  }
0x9: {  	[smem:$0x3FA8] =	sst s1  }
0xa: {  	[smem:$0x3FA9] =	sst s2  }
0xb: {  	[smem:$0x3FAA] =	sst s3  }
0xc: {  	[smem:$0x3FAB] =	sst s4  }
0xd: {  	[smem:$0x3FAC] =	sst s5  }
0xe: {  	[smem:$0x3FAD] =	sst s6  }
0xf: {  	[smem:$0x3FAE] =	sst s7  }
0x10: {  	[smem:$0x3FAF] =	sst s8  }
0x11: {  	[smem:$0x3FB0] =	sst s9;
	s0 =	simm.s32 @!p0 $0x0  }
0x12: {  	s1 =	sld [smem:$0x3F96];
	s0 =	simm.s32 @p0 $0x1  }
0x13: {  	[smem:$0x3FB1] =	sst s0;
	s0 =	simm.s32 @!p1 $0x0  }
0x14: {  	s2 =	sld [smem:$0x3F95];
	s0 =	simm.s32 @p1 $0x1  }
0x15: {  	[smem:$0x3FB2] =	sst s0;
	s0 =	simm.s32 @!p2 $0x0  }
0x16: {  	s3 =	sld [smem:$0x3FDB];
	s0 =	simm.s32 @p2 $0x1  }
0x17: {  	s4 =	simm.s32 $0x1BF5;
	[smem:$0x3FB4] =	sst s0  }
0x18: {  	s0 =	sld [smem:$0x3F97];
	_ =	swait.ge [sflag:s4], $0x0  }
0x19: {  	s7 =	sld [smem:$0x3F98]  }
0x1a: {  	s8 =	sadd.s32 $0xFFFFE003, lr  }
0x1b: {  	s9 =	sadd.s32 $0xFFFFFEF7, lr;
	s5 =	simm.s32 $0xFFFFFFFF;
	p2 =	slt.u32 s8, $0xFFFFF086  }
0x1c: {  	p1 =	slt.u32 s9, $0xF7A;
	s5 =	simm.s32 @!p2 $0x0  }
0x1d: {  	s5 =	simm.s32 @p1 $0x1;
	p0 =	seq.s32 s7, s2  }
0x1e: {  	s7 =	smul.u32 @!p0 $0xF7A, s2;
	p2 =	seq.s32 @!p0 s5, $0x0  }
0x1f: {  	s9 =	smul.u32 $0xF7A, s1;
	s8 =	simm.s32 @!p0 $0x1BF5;
	p2 =	por !p2, p0  }
0x20: {  	[sflag:s8] =	ssyncset.s32 @!p0 $0xFFFFF086;
	s6 =	sadd.s32 @!p0 s3, s7;
	s7 =	simm.s32 @!p0 $0x108  }
0x21: {  	s3 =	sadd.s32 s3, s9;
	s6 =	sadd.s32 @!p0 $0x88, s6;
	s7 =	simm.s32 @p2 $0x1082  }
0x22: {  	[simem:s7], [sflag:s8] =	dma.local @!p0 [hbm:s6], $0xF7A  }
0x23: {  	s9 =	sor.u32 $0xD0000000, s2;
	s6 =	simm.s32 $0x108;
	_ =	swait.ge @!p0 [sflag:s8], $0x0  }
0x24: {  	s3 =	sadd.s32 $0x88, s3;
	s6 =	simm.s32 @!p1 $0x1082;
	[sflag:s4] =	ssyncset.s32 $0xFFFFF086  }
0x25: {  	[simem:s6], [sflag:s4] =	dma.local [hbm:s3], $0xF7A  }
0x26: {  	[smem:$0x3F98] =	sst s1;
	(tag) =	ssettag s2;
	_ =	strace s9  }
0x27: {  	s1 =	sld [smem:$0x3FA8]  }
0x28: {  	s2 =	sld [smem:$0x3FA9]  }
0x29: {  	s4 =	sld [smem:$0x3FAB]  }
0x2a: {  	p0 =	seq.s32 s5, $0x0;
	s5 =	sld [smem:$0x3FAC]  }
0x2b: {  	s6 =	sld [smem:$0x3FAD]  }
0x2c: {  	s7 =	sld [smem:$0x3FAE]  }
0x2d: {  	s3 =	simm.s32 $0x108;
	s8 =	sld [smem:$0x3FAF]  }
0x2e: {  	s3 =	simm.s32 @!p0 $0x1082;
	s9 =	sld [smem:$0x3FB0]  }
0x2f: {  	lr =	sadd.s32 s0, s3;
	s0 =	sld [smem:$0x3FA7]  }
0x30: {  	s3 =	sld [smem:$0x3FAA]  }
0x31: {  	[smem:$0x3FB3] =	sst s10  }
0x32: {  	s10 =	sld [smem:$0x3FB1];
	_ =	sdelay $0x3  }
0x33: {  	p0 =	seq.s32 s10, $0x1;
	s10 =	sld [smem:$0x3FB3];
	_ =	sdelay $0x3  }
0x34: {  	[smem:$0x3FB3] =	sst s10  }
0x35: {  	s10 =	sld [smem:$0x3FB2];
	_ =	sdelay $0x3  }
0x36: {  	p1 =	seq.s32 s10, $0x1;
	s10 =	sld [smem:$0x3FB3];
	_ =	sdelay $0x3  }
0x37: {  	[smem:$0x3FB3] =	sst s10  }
0x38: {  	s10 =	sld [smem:$0x3FB4]  }
0x39: {  	_ = 	snop;
	(pc) =	sbr.ind lr, $3  }
0x3a: {  	_ = 	snop  }
0x3b: {  	_ = 	snop  }
0x3c: {  	p2 =	seq.s32 s10, $0x1;
	s10 =	sld [smem:$0x3FB3]  }
0x3d: {  	_ =	shalt  }
0x3e: {  	_ =	shalt  }
0x3f: {  	_ =	shalt  }
0x40: {  	_ =	shalt  }
0x41: {  	_ =	shalt  }
0x42: {  	_ =	shalt  }
0x43: {  	_ =	shalt  }
0x44: {  	_ =	shalt  }
0x45: {  	_ =	shalt  }
0x46: {  	_ =	shalt  }
0x47: {  	_ =	shalt  }
0x48: {  	_ =	shalt  }
0x49: {  	_ =	shalt  }
0x4a: {  	_ =	shalt  }
0x4b: {  	_ =	shalt  }
0x4c: {  	_ =	shalt  }
0x4d: {  	_ =	shalt  }
0x4e: {  	_ =	shalt  }
0x4f: {  	_ =	shalt  }
0x50: {  	_ =	shalt  }
0x51: {  	_ =	shalt  }
0x52: {  	_ =	shalt  }
0x53: {  	_ =	shalt  }
0x54: {  	_ =	shalt  }
0x55: {  	_ =	shalt  }
0x56: {  	_ =	shalt  }
0x57: {  	_ =	shalt  }
0x58: {  	_ =	shalt  }
0x59: {  	_ =	shalt  }
0x5a: {  	_ =	shalt  }
0x5b: {  	_ =	shalt  }
0x5c: {  	_ =	shalt  }
0x5d: {  	_ =	shalt  }
0x5e: {  	_ =	shalt  }
0x5f: {  	_ =	shalt  }
0x60: {  	_ =	shalt  }
0x61: {  	_ =	shalt  }
0x62: {  	_ =	shalt  }
0x63: {  	_ =	shalt  }
0x64: {  	_ =	shalt  }
0x65: {  	_ =	shalt  }
0x66: {  	_ =	shalt  }
0x67: {  	_ =	shalt  }
0x68: {  	_ =	shalt  }
0x69: {  	_ =	shalt  }
0x6a: {  	_ =	shalt  }
0x6b: {  	_ =	shalt  }
0x6c: {  	_ =	shalt  }
0x6d: {  	_ =	shalt  }
0x6e: {  	_ =	shalt  }
0x6f: {  	_ =	shalt  }
0x70: {  	_ =	shalt  }
0x71: {  	_ =	shalt  }
0x72: {  	_ =	shalt  }
0x73: {  	_ =	shalt  }
0x74: {  	_ =	shalt  }
0x75: {  	_ =	shalt  }
0x76: {  	_ =	shalt  }
0x77: {  	_ =	shalt  }
0x78: {  	_ =	shalt  }
0x79: {  	_ =	shalt  }
0x7a: {  	_ =	shalt  }
0x7b: {  	_ =	shalt  }
0x7c: {  	_ =	shalt  }
0x7d: {  	_ =	shalt  }
0x7e: {  	_ =	shalt  }
0x7f: {  	_ =	shalt  }
0x80: {  	_ =	shalt  }
0x81: {  	_ =	shalt  }
0x82: {  	_ =	shalt  }
0x83: {  	_ =	shalt  }
0x84: {  	_ =	shalt  }
0x85: {  	_ =	shalt  }
0x86: {  	_ =	shalt  }
0x87: {  	_ =	shalt  }
.Lfunc_end0:
.L_simem_size_0:
called_computation_lowered:
.L_overlay_start_0:
0x88: {  	s2 =	sld [smem:$0x3FD9]  }
0x89: {  	s3 =	sld [smem:$0x3FFE];
	_ =	sdelay $0x1  }
0x8a: {  	s1 =	srdreg.scid  }
0x8b: {  	s0 =	sand.u32 $0x1, s1  }
0x8c: {  	s16 =	sshll.u32 s0, $0xA;
	s2 =	sadd.s32 s3, s2  }
0x8d: {  	s2 =	sadd.s32 s2, s16  }
0x8e: {  	[smem:$0x3FBF] =	sst s2  }
0x8f: {  	_ = 	snop  }
0x90: {  	(tm) =	ssettm $0x1  }
0x91: {  	s17 =	sld [smem:$0x3FFB];
	_ =	sdelay $0x3  }
0x92: {  	_ =	strace s17  }
0x93: {  	s2 =	sld [smem:$0x3FFC];
	_ =	sdelay $0x3  }
0x94: {  	_ =	strace s2  }
0x95: {  	s2 =	sld [smem:$0x3FFD];
	_ =	sdelay $0x3  }
0x96: {  	_ =	strace s2  }
0x97: {  	_ =	strace $0x8FFFFFFF  }
0x98: {  	s18 =	sld [smem:$0x3FDB];
	_ =	sdelay $0x1  }
0x99: {  	s19 =	simm.s32 $_scs_section_size  }
0x9a: {  	s4 =	simm.s32 $_size__tile_overlayer_lowered;
	s5 =	simm.s32 $_tile_overlayer_lowered  }
0x9b: {  	s22 =	simm.s32 $0x1BFF;
	s21 =	sshll.u32 s5, $0x1;
	s2 =	sadd.s32 s19, s18  }
0x9c: {  	s6 =	simm.s32 $0x0;
	s20 =	sshll.u32 s4, $0x1;
	s4 =	sadd.s32 s21, s2  }
0x9d: {  	[timem:s6], [sflag:s22] =	dma.local [hbm:s4], s20  }
0x9e: {  	_ =	swait.ge [sflag:s22], s20  }
0x9f: {  	s3 =	ssub.s32 $0x0, s20;
	[sflag:s22] =	ssyncset.done $0x0  }
0xa0: {  	[sflag:s22] =	ssyncadd.s32 s3;
	_ =	sdelay $0x1  }
0xa1: {  	s23 =	simm.s32 $0x1B8B  }
0xa2: {  	_ =	swait.ge [sflag:s23], $0x1  }
0xa3: {  	[sflag:s23] =	ssyncset.done $0x0  }
0xa4: {  	s25 =	simm.s32 $0x1B8E;
	s24 =	sld [smem:$0x3FFE];
	[sflag:s23] =	ssyncadd.s32 $0xFFFFFFFF  }
0xa5: {  	s26 =	simm.s32 $execute0_lowered;
	[smem:$0x3FD2] =	sst s25  }
0xa6: {  	s4 =	sshll.u32 s26, $0x1;
	_ =	strace $0x80000046;
	[dreg:$0x1] =	wrdreg $0xFFFFFFFF  }
0xa7: {  	s28 =	simm.s32 $_size_execute0_lowered;
	s2 =	sadd.s32 s2, s4;
	[dreg:$0x0] =	wrdreg $0x0  }
0xa8: {  	s4 =	sshll.u32 s28, $0x1;
	[dreg:$0x2] =	wrdreg s2  }
0xa9: {  	[dreg:$0x3] =	wrdreg s4  }
0xaa: {  	[dreg:$0x4] =	wrdreg $0xC0  }
0xab: {  	_ =	task [dreg:s6], $0x5FFFF  }
0xac: {  	[dreg:$0x1] =	wrdreg $0xFFFFFFFF  }
0xad: {  	[dreg:$0x0] =	wrdreg $0x60  }
0xae: {  	[dreg:$0x2] =	wrdreg s24  }
0xaf: {  	[dreg:$0x3] =	wrdreg $0x43000  }
0xb0: {  	[dreg:$0x4] =	wrdreg $0x9  }
0xb1: {  	_ =	task.clear_ibuf [dreg:s6], $0x5FFFF;
	_ =	strace $0x90000046  }
0xb2: {  	s29 =	simm.s32 $0x9;
	_ =	strace $0x80000048  }
0xb3: {  	_ =	swait.ge [sflag:s29], $0x1  }
0xb4: {  	[sflag:s29] =	ssyncadd.s32 $0xFFFFFFFF  }
0xb5: {  	_ =	strace $0x90000048  }
0xb6: {  	_ =	sfence  }
0xb7: {  	s30 =	sld [smem:$0x0];
	_ =	sdelay $0x2  }
0xb8: {  	s31 =	sshll.u32 s1, $0xD;
	s1 =	sshrl.u32 s1, $0x2  }
0xb9: {  	s3 =	sand.u32 $0x4000, s31;
	s1 =	sadd.s32 s1, s30  }
0xba: {  	s0 =	sor.u32 s3, s0;
	s1 =	sshll.u32 s1, $0x11  }
0xbb: {  	s0 =	sor.u32 s1, s0  }
0xbc: {  	s0 =	sadd.s32 $0x8F2B, s0  }
0xbd: {  	[sflag:s0] =	ssyncadd.remote.s32 $0x1  }
0xbe: {  	_ =	sfence.sel $0xFFFF  }
0xbf: {  	[dreg:$0x0] =	wrdreg $0xFFFFFFFF;
	(pc) =	sbr.abs _section_cstart, $3  }
0xc0: {  	[dreg:$0x1] =	wrdreg $0xFFFFFFFF  }
0xc1: {  	_ =	task.clear_ibuf [dreg:s6], $0x2FFFF;
	_ =	strace $0x9FFFFFFF  }
0xc2: {  	(tm) =	ssettm $0x7FFFFFFF  }
0xc3: {  	_ =	shalt  }
tec
execute0_lowered:
.L_overlay_start_1:
0x0: {  	(tag) =	ssettag $0x1  }
0x1: {  	s4 =	rddreg [dreg:$0x0]  }
0x2: {  	s2 =	rddreg [dreg:$0x1]  }
0x3: {  	s0 =	rddreg [dreg:$0x2];
	s5 =	srdreg.scid  }
0x4: {  	s1 =	stileid.u32;
	s3 =	simm.s32 $0x0;
	s11 =	simm.s32 $0x50  }
0x5: {  	s12 =	simm.s32 $0x4000;
	s15 =	simm.s32 $0x0;
	s5 =	sand.u32 $0x1, s5  }
0x6: {  	s6 =	smul.u32 $0x280, s1;
	[smem:$0x7FF] =	sst s3;
	s9 =	sshll.u32 s1, $0xC  }
0x7: {  	s13 =	sshll.u32 s1, $0x6;
	s7 =	sshll.u32 s5, $0xB;
	s8 =	smul.u32 $0x2800, s5  }
0x8: {  	_ =	strace $0x80000047;
	s5 =	ssub.s32 $0x2, s5;
	s13 =	sor.u32 $0x1C02, s13  }
0x9: {  	s7 =	sadd.s32 s7, s4;
	s10 =	sshrl.u32 s5, $0x1;
	s8 =	sadd.s32 s6, s8  }
0xa: {  	s7 =	sadd.s32 s9, s7;
	s31 =	ssub.s32 s5, s10;
	s5 =	sadd.s32 s6, s2  }
0xb: {  	s9 =	simm.s32 $0x2;
	s10 =	simm.s32 $0x1;
	s8 =	sshrl.u32 s8, $0x3  }
0xc: {  	s14 =	sshrl.u32 s5, $0x3;
	s8 =	sadd.s32 s8, s4;
	s4 =	sadd.s32 $0x2600, s7  }
0xd: {  	v0 =	vimm.f32 $1.000000000e+00;
	v1 =	vimm.f32 $0.0e+00;
	s7 =	smax.u32 s31, $0x1;
	s6 =	sadd.s32 $0x12600, s8;
	s8 =	simm.s32 $0x4080  }
.LBB2_1:
0xe: {  	[tilespmem:$0x4000] =	vst v0  }
0xf: {  	[tilespmem:$0x4010] =	vst v0  }
0x10: {  	[tilespmem:$0x4020] =	vst v0  }
0x11: {  	[tilespmem:$0x4030] =	vst v0  }
0x12: {  	[tilespmem:$0x4040] =	vst v0  }
0x13: {  	[tilespmem:s3], [sflag:$0x1] =	stream.linear.gather [hbm4b:s4+s3], $0x3E80, $0x38;
	[tilespmem:$0x4580] =	vst v63  }
0x14: {  	[tilespmem:$0x4080] =	vst v1  }
0x15: {  	[tilespmem:$0x4090] =	vst v1  }
0x16: {  	[tilespmem:$0x40A0] =	vst v1  }
0x17: {  	[tilespmem:$0x40B0] =	vst v1  }
0x18: {  	[tilespmem:$0x40C0] =	vst v1  }
0x19: {  	[tilespmem:$0x40D0] =	vst v1  }
0x1a: {  	[tilespmem:$0x40E0] =	vst v1  }
0x1b: {  	[tilespmem:$0x40F0] =	vst v1  }
0x1c: {  	[tilespmem:$0x4100] =	vst v1  }
0x1d: {  	[tilespmem:$0x4110] =	vst v1  }
0x1e: {  	[tilespmem:$0x4120] =	vst v1  }
0x1f: {  	[tilespmem:$0x4130] =	vst v1  }
0x20: {  	[tilespmem:$0x4140] =	vst v1  }
0x21: {  	[tilespmem:$0x4150] =	vst v1  }
0x22: {  	[tilespmem:$0x4160] =	vst v1  }
0x23: {  	[tilespmem:$0x4170] =	vst v1  }
0x24: {  	[tilespmem:$0x4180] =	vst v1  }
0x25: {  	[tilespmem:$0x4190] =	vst v1  }
0x26: {  	[tilespmem:$0x41A0] =	vst v1  }
0x27: {  	[tilespmem:$0x41B0] =	vst v1  }
0x28: {  	[tilespmem:$0x41C0] =	vst v1  }
0x29: {  	[tilespmem:$0x41D0] =	vst v1  }
0x2a: {  	[tilespmem:$0x41E0] =	vst v1  }
0x2b: {  	[tilespmem:$0x41F0] =	vst v1  }
0x2c: {  	[tilespmem:$0x4200] =	vst v1  }
0x2d: {  	[tilespmem:$0x4210] =	vst v1  }
0x2e: {  	[tilespmem:$0x4220] =	vst v1  }
0x2f: {  	[tilespmem:$0x4230] =	vst v1  }
0x30: {  	[tilespmem:$0x4240] =	vst v1  }
0x31: {  	[tilespmem:$0x4250] =	vst v1  }
0x32: {  	[tilespmem:$0x4260] =	vst v1  }
0x33: {  	[tilespmem:$0x4270] =	vst v1  }
0x34: {  	[tilespmem:$0x4280] =	vst v1  }
0x35: {  	[tilespmem:$0x4290] =	vst v1  }
0x36: {  	[tilespmem:$0x42A0] =	vst v1  }
0x37: {  	[tilespmem:$0x42B0] =	vst v1  }
0x38: {  	[tilespmem:$0x42C0] =	vst v1  }
0x39: {  	[tilespmem:$0x42D0] =	vst v1  }
0x3a: {  	[tilespmem:$0x42E0] =	vst v1  }
0x3b: {  	[tilespmem:$0x42F0] =	vst v1  }
0x3c: {  	[spmem:s5] =	stream.linear.scatter [tilespmem:s8], [sflag:$0x2], $0x280, $0x38;
	[tilespmem:$0x4580] =	vst v63  }
0x3d: {  	_ =	swait.ge [sflag:s9], $0x280  }
0x3e: {  	[sflag:s9] =	ssyncset.done $0x0  }
0x3f: {  	[sflag:s9] =	ssyncadd.s32 $0xFFFFFD80  }
0x40: {  	_ =	swait.ge [sflag:s10], $0x3E80  }
0x41: {  	[sflag:s10] =	ssyncset.done $0x0  }
0x42: {  	[sflag:s10] =	ssyncadd.s32 $0xFFFFC180  }
0x43: {  	s16 =	simm.s32 $0x0;
	[bflag:$0x0] =	sbarrier.arrive $0xFFFF  }
0x44: {  	[spmem:s2] =	stream.indirect.scatter.add.f32 [tilespmem:s12], [sflag:$0x2], $0x1, s16, s11, $0xb8;
	[tilespmem:$0x4580] =	vst v63  }
0x45: {  	_ =	swait.ge [sflag:s9], $0x50  }
0x46: {  	s16 =	simm.s32 $0x200;
	[sflag:s9] =	ssyncset.done $0x0  }
.LBB2_2:
0x47: {  	s17 =	sshra.s32 s16, $0x2;
	[sflag:s9] =	ssyncadd.s32 $0xFFFFFFB0;
	p0 =	sne.s32 s16, $0xF800  }
0x48: {  	[spmem:s2] =	stream.indirect.scatter.add.f32 [tilespmem:s12], [sflag:$0x2], $0x1, s17, s11, $0xb8;
	[tilespmem:$0x4580] =	vst v63  }
.Ltmp0:
0x49: {  	_ = 	snop;
	(pc) =	sbr.rel @p0 .LBB2_2-.Ltmp0, $4  }
0x4a: {  	_ = 	snop  }
0x4b: {  	s16 =	sadd.s32 $0x200, s16  }
0x4c: {  	_ =	swait.ge [sflag:s9], $0x50  }
0x4d: {  	[sflag:s9] =	ssyncset.done $0x0  }
0x4e: {  	s15 =	sadd.s32 $0x1, s15  }
0x4f: {  	[sflag:s9] =	ssyncadd.s32 $0xFFFFFFB0;
	p0 =	sne.s32 s15, s7  }
.Ltmp1:
0x50: {  	[bflag:$0x0] =	sbarrier.arrive $0xFFFF;
	(pc) =	sbr.rel @p0 .LBB2_1-.Ltmp1, $4  }
0x51: {  	[hbm:s6], [sflag:s13] =	dma.local [spmem:s14], $0x50  }
0x52: {  	_ =	swait.ge [sflag:s9], $0x50  }
0x53: {  	[sflag:s9] =	ssyncset.done $0x0  }
0x54: {  	[sflag:s9] =	ssyncadd.s32 $0xFFFFFFB0  }
0x55: {  	_ =	sfence.sel $0x180000  }
0x56: {  	[bflag:$0x0] =	sbarrier.arrive $0xFFFF  }
0x57: {  	p0 =	sne.s32 s1, $0x0;
	_ =	strace $0x90000047  }
0x58: {  	s0 =	sadd.s32 @!p0 $0x100000, s0;
	[bflag:$0x2] =	sbarrier.arrive $0xFFFF  }
0x59: {  	[sflag:s0] =	ssyncadd.tile.s32 @!p0 $0x1;
	_ =	shalt  }
.Lfunc_end2:
_tile_overlayer_lowered:
.L_overlay_start_2:
0x5a: {  	(tag) =	ssettag $0x2  }
0x5b: {  	s0 =	rddreg [dreg:$0x0];
	s2 =	stileid.u32  }
0x5c: {  	s1 =	rddreg [dreg:$0x1];
	p0 =	sne.s32 s2, $0x0  }
0x5d: {  	s3 =	rddreg [dreg:$0x2];
	[bflag:$0x3] =	sbarrier.arrive $0xFFFF;
	s2 =	simm.s32 @!p0 $0x1C02  }
0x5e: {  	[timem:s3], [sflag:s2] =	dma.local @!p0 [hbm:s0], s1  }
0x5f: {  	s0 =	simm.s32 @!p0 $0x2  }
0x60: {  	_ =	swait.ge @!p0 [sflag:s0], s1  }
0x61: {  	s1 =	ssub.s32 @!p0 $0x0, s1;
	[sflag:s0] =	ssyncset.done @!p0 $0x0  }
0x62: {  	[sflag:s0] =	ssyncadd.s32 @!p0 s1  }
0x63: {  	[bflag:$0x3] =	sbarrier.arrive $0xFFFF  }
0x64: {  	_ =	shalt  }

</sc_bundles>
